<compile_context>
chip_gen: v7x
topology: tpu7x:2x2x1
jax: 0.10.2.dev20260603
libtpu: 0.0.44.dev20260713+nightly
codegen_flags: <defaults>
</compile_context>

<pallas_src>
import functools

import jax
import jax.numpy as jnp
from jax import lax
from jax.experimental import pallas as pl
from jax.experimental.pallas import tpu as pltpu
from jax.experimental.pallas import tpu_sc as plsc

_B = 16
_N = 4096
_QT = 2048

_NC = 2
_NS = 16
_NW = _NC * _NS
_BPW = (_B * _N) // _NW


def _select_kernel(pred_r_ref, pred_t_ref, mp_t_ref, tgt_t_ref, tgt_pack_ref,
                   idx_ref, dir_ref, pp_ref):
    b = pl.program_id(0)
    q = pl.program_id(1)

    mpx = mp_t_ref[0, 0:1, :]
    mpy = mp_t_ref[0, 1:2, :]
    mpz = mp_t_ref[0, 2:3, :]

    def rotate(j):
        return (mpx * pred_r_ref[b, j, 0]
                + mpy * pred_r_ref[b, j, 1]
                + mpz * pred_r_ref[b, j, 2]
                + pred_t_ref[b, 0, j])

    ppx, ppy, ppz = rotate(0), rotate(1), rotate(2)

    a = jnp.concatenate(
        [ppx, ppy, ppz, jnp.ones((1, _QT), jnp.float32)], axis=0)
    a_hi = a.astype(jnp.bfloat16)
    a_lo = (a - a_hi.astype(jnp.float32)).astype(jnp.bfloat16)
    ac = jnp.concatenate([a_hi, a_hi, a_lo], axis=0)
    bt = tgt_pack_ref[0]
    c = jax.lax.dot_general(bt, ac, (((1,), (0,)), ((), ())),
                            preferred_element_type=jnp.float32)
    jmin = jnp.argmin(c, axis=0).astype(jnp.int32)[None]
    idx_ref[...] = (jmin + b * _N)[None]
    pp_ref[...] = jnp.concatenate([ppx, ppy, ppz], axis=0)[None]

    ddx = ppx - tgt_t_ref[0, 0:1, :]
    ddy = ppy - tgt_t_ref[0, 1:2, :]
    ddz = ppz - tgt_t_ref[0, 2:3, :]
    nd = ddx * ddx + ddy * ddy + ddz * ddz
    dir_sum = jnp.sum(jnp.sqrt(nd), axis=1, keepdims=True)

    @pl.when(q == 0)
    def _init():
        dir_ref[...] = jnp.zeros((1, 1, 1), jnp.float32)

    dir_ref[...] += dir_sum[None]


_CHUNK = 256


def _sc_gather(table, idx_flat):
    mesh = plsc.VectorSubcoreMesh(core_axis_name="c", subcore_axis_name="s")

    @functools.partial(
        pl.kernel, mesh=mesh,
        out_type=jax.ShapeDtypeStruct((_B * _N, 128), jnp.float32),
        scratch_types=[
            pltpu.VMEM((_CHUNK,), jnp.int32),
            pltpu.VMEM((_CHUNK,), jnp.int32),
            pltpu.VMEM((_CHUNK, 128), jnp.float32),
            pltpu.VMEM((_CHUNK, 128), jnp.float32),
            pltpu.SemaphoreType.DMA,
            pltpu.SemaphoreType.DMA,
        ],
    )
    def k(table_hbm, idx_hbm, out_hbm, idx_v0, idx_v1, rows_v0, rows_v1,
          sem0, sem1):
        wid = lax.axis_index("s") * _NC + lax.axis_index("c")
        base = wid * _BPW
        idx_v = (idx_v0, idx_v1)
        rows_v = (rows_v0, rows_v1)
        sem = (sem0, sem1)
        nch = _BPW // _CHUNK
        pltpu.sync_copy(idx_hbm.at[pl.ds(base, _CHUNK)], idx_v0)
        dma = pltpu.async_copy(table_hbm.at[idx_v0], rows_v0, sem0)
        for ch in range(nch):
            cur = ch % 2
            nxt = (ch + 1) % 2
            if ch + 1 < nch:
                off_n = base + (ch + 1) * _CHUNK
                pltpu.sync_copy(idx_hbm.at[pl.ds(off_n, _CHUNK)], idx_v[nxt])
                dma_n = pltpu.async_copy(
                    table_hbm.at[idx_v[nxt]], rows_v[nxt], sem[nxt])
            dma.wait()
            pltpu.sync_copy(rows_v[cur], out_hbm.at[pl.ds(base + ch * _CHUNK,
                                                          _CHUNK)])
            if ch + 1 < nch:
                dma = dma_n

    return k(table, idx_flat)


def _refine_kernel(pp_ref, g_ref, knn_ref):
    dx = pp_ref[0, :, 0:1] - g_ref[0, :, 0:1]
    dy = pp_ref[0, :, 1:2] - g_ref[0, :, 1:2]
    dz = pp_ref[0, :, 2:3] - g_ref[0, :, 2:3]
    d = dx * dx + dy * dy + dz * dz
    knn_ref[...] = jnp.sum(jnp.sqrt(d), axis=0, keepdims=True)[None]


@functools.partial(jax.jit, static_argnames=())
def kernel(pred_r, pred_t, targets, model_points, idxs):
    mp_t = jnp.swapaxes(model_points, 1, 2)
    tgt_t = jnp.swapaxes(targets, 1, 2)
    tn = jnp.sum(targets * targets, axis=2, keepdims=True)
    aug = jnp.concatenate([-2.0 * targets, tn], axis=2)
    aug_hi = aug.astype(jnp.bfloat16)
    aug_lo = (aug - aug_hi.astype(jnp.float32)).astype(jnp.bfloat16)
    tgt_pack = jnp.concatenate([aug_hi, aug_lo, aug_hi], axis=2)
    table = jnp.pad(targets.reshape(_B * _N, 3),
                    ((0, 0), (0, 125)))

    nq = _N // _QT
    idx_out, dir_out, pp_rows = pl.pallas_call(
        _select_kernel,
        grid=(_B, nq),
        in_specs=[
            pl.BlockSpec(memory_space=pltpu.SMEM),
            pl.BlockSpec(memory_space=pltpu.SMEM),
            pl.BlockSpec((1, 3, _QT), lambda b, q: (b, 0, q)),
            pl.BlockSpec((1, 3, _QT), lambda b, q: (b, 0, q)),
            pl.BlockSpec((1, _N, 12), lambda b, q: (b, 0, 0)),
        ],
        out_specs=[
            pl.BlockSpec((1, 1, _QT), lambda b, q: (b, 0, q)),
            pl.BlockSpec((1, 1, 1), lambda b, q: (b, 0, 0)),
            pl.BlockSpec((1, 3, _QT), lambda b, q: (b, 0, q)),
        ],
        out_shape=[
            jax.ShapeDtypeStruct((_B, 1, _N), jnp.int32),
            jax.ShapeDtypeStruct((_B, 1, 1), jnp.float32),
            jax.ShapeDtypeStruct((_B, 3, _N), jnp.float32),
        ],
    )(pred_r, pred_t, mp_t, tgt_t, tgt_pack)

    gathered = _sc_gather(table, idx_out.reshape(_B * _N))

    pp_cols = jnp.swapaxes(pp_rows, 1, 2)
    knn_out = pl.pallas_call(
        _refine_kernel,
        grid=(_B,),
        in_specs=[
            pl.BlockSpec((1, _N, 3), lambda b: (b, 0, 0)),
            pl.BlockSpec((1, _N, 128), lambda b: (b, 0, 0)),
        ],
        out_specs=pl.BlockSpec((1, 1, 1), lambda b: (b, 0, 0)),
        out_shape=jax.ShapeDtypeStruct((_B, 1, 1), jnp.float32),
    )(pp_cols, gathered.reshape(_B, _N, 128))

    is_sym = jnp.logical_and(idxs.astype(jnp.int32) >= 0,
                             idxs.astype(jnp.int32) < 64)
    per_batch = jnp.where(is_sym, knn_out[:, 0, 0], dir_out[:, 0, 0]) * (1.0 / _N)
    return jnp.mean(per_batch)

# --- scband reference (transcript-rebuilt; emitter-appended) ---
"""Pipeline reference for scband-pose-loss-46557445489146 (READ-ONLY COPY).

The authoritative reference and input builder live on the scoring server;
editing this copy changes nothing except your own understanding.
"""

import jax, jax.numpy as jnp
import numpy as np

B = 16
NUM_POINT = 4096
SYM_LIST = jnp.arange(64, dtype=jnp.int32)


def setup_inputs(seed: int = 0) -> dict:
    key = jax.random.key(seed)
    k1, k2, k3, k4, k5 = jax.random.split(key, 5)
    return {
        "pred_r": jax.random.normal(k1, (B, 3, 3), dtype=jnp.float32),
        "pred_t": jax.random.normal(k2, (B, 1, 3), dtype=jnp.float32),
        "targets": jax.random.normal(k3, (B, NUM_POINT, 3), dtype=jnp.float32),
        "model_points": jax.random.normal(k4, (B, NUM_POINT, 3), dtype=jnp.float32),
        "idxs": jax.random.randint(k5, (B,), 0, 64),
    }


def _knn_gather(pred_point, tgt):
    # nearest neighbor in tgt for each pred point (squared euclidean)
    d = (
        jnp.sum(pred_point * pred_point, axis=1)[:, None]
        + jnp.sum(tgt * tgt, axis=1)[None, :]
        - 2.0 * (pred_point @ tgt.T)
    )
    inds = jnp.argmin(d, axis=1)
    return jnp.take(tgt, inds, axis=0)


def reference(pred_r, pred_t, targets, model_points, idxs):
    # pred_points = model_points @ pred_r^T + pred_t
    pred_points = jnp.einsum("bni,bji->bnj", model_points, pred_r) + pred_t

    def body(args):
        pp, tg, ix = args
        knn_tgt = _knn_gather(pp, tg)
        is_sym = jnp.any(ix.astype(jnp.int32) == SYM_LIST)
        return jnp.where(is_sym, knn_tgt, tg)

    tgts = jax.lax.map(body, (pred_points, targets, idxs))
    dis = jnp.mean(jnp.mean(jnp.linalg.norm(pred_points - tgts, axis=2), axis=1))
    return dis

if __name__ == "__main__":
    import jax
    _d = setup_inputs()
    print(jax.jit(kernel)(*tuple(_d.values())))

</pallas_src>

<mosaic_0001>
#map = affine_map<(d0, d1) -> (0, 0)>
#map1 = affine_map<(d0, d1) -> (0)>
module attributes {stable_mosaic.version = 14 : i64} {
  func.func @k(%arg0: i32, %arg1: i32, %arg2: memref<65536x128xf32, #tpu.memory_space<hbm>>, %arg3: memref<65536xi32, #tpu.memory_space<hbm>>, %arg4: memref<65536x128xf32, #tpu.memory_space<hbm>>, %arg5: memref<256xi32, #tpu.memory_space<vmem>>, %arg6: memref<256xi32, #tpu.memory_space<vmem>>, %arg7: memref<256x128xf32, #tpu.memory_space<vmem>>, %arg8: memref<256x128xf32, #tpu.memory_space<vmem>>, %arg9: memref<!tpu.dma_semaphore, #tpu.memory_space<semaphore_mem>>, %arg10: memref<!tpu.dma_semaphore, #tpu.memory_space<semaphore_mem>>) attributes {dimension_semantics = [#tpu.dimension_semantics<core_parallel>, #tpu.dimension_semantics<subcore_parallel>], iteration_bounds = array<i64: 2, 16>, scalar_prefetch = 0 : i64, scratch_operands = 6 : i64, tpu.core_type = #tpu.core_type<sc_vector_subcore>, window_params = [{transform_indices = #map}, {transform_indices = #map1}, {transform_indices = #map}]} {
    %mul3A = arith.constant 2 : i32
    %mul3A_0 = arith.muli %arg1, %mul3A : i32
    %add3A = arith.addi %mul3A_0, %arg0 : i32
    %mul3A_1 = arith.constant 2048 : i32
    %mul3A_2 = arith.muli %add3A, %mul3A_1 : i32
    "tpu.region"() ({
      %run_scoped3A = tpu.sem_alloc : memref<!tpu.dma_semaphore, #tpu.memory_space<semaphore_mem>>
      %dma_start3A_79 = tpu.memref_slice %arg3[%mul3A_2] : memref<65536xi32, #tpu.memory_space<hbm>> -> memref<256xi32, #tpu.memory_space<hbm>>
      %dma_start3A_80 = tpu.memref_slice %arg3[%mul3A_2] : memref<65536xi32, #tpu.memory_space<hbm>> -> memref<256xi32, #tpu.memory_space<hbm>>
      tpu.enqueue_dma source(%dma_start3A_80 : memref<256xi32, #tpu.memory_space<hbm>>) target(%arg5 : memref<256xi32, #tpu.memory_space<vmem>>) target_semaphore(%run_scoped3A : memref<!tpu.dma_semaphore, #tpu.memory_space<semaphore_mem>>)
      %dma_wait3A_81 = tpu.memref_slice %arg3[%mul3A_2] : memref<65536xi32, #tpu.memory_space<hbm>> -> memref<256xi32, #tpu.memory_space<hbm>>
      %dma_wait3A_82 = tpu.memref_slice %arg3[%mul3A_2] : memref<65536xi32, #tpu.memory_space<hbm>> -> memref<256xi32, #tpu.memory_space<hbm>>
      tpu.wait_dma2 semaphore(%run_scoped3A : memref<!tpu.dma_semaphore, #tpu.memory_space<semaphore_mem>>) src(%dma_wait3A_82 : memref<256xi32, #tpu.memory_space<hbm>>) dst(%arg5 : memref<256xi32, #tpu.memory_space<vmem>>)
      tpu.yield
    }) : () -> ()
    %dma_start3A = arith.constant 0 : i32
    %dma_start3A_3 = arith.constant 0 : i32
    %dma_start3A_4 = tpu.memref_slice %arg2[%dma_start3A, %dma_start3A_3] : memref<65536x128xf32, #tpu.memory_space<hbm>> -> memref<65536x128xf32, #tpu.memory_space<hbm>>
    tpu.enqueue_indirect_dma source(%dma_start3A_4 : memref<65536x128xf32, #tpu.memory_space<hbm>>) target(%arg7 : memref<256x128xf32, #tpu.memory_space<vmem>>) offsets(%arg5 : memref<256xi32, #tpu.memory_space<vmem>>) semaphore(%arg9 : memref<!tpu.dma_semaphore, #tpu.memory_space<semaphore_mem>>)
    %add3A_5 = arith.constant 256 : i32
    %add3A_6 = arith.addi %mul3A_2, %add3A_5 : i32
    "tpu.region"() ({
      %run_scoped3A = tpu.sem_alloc : memref<!tpu.dma_semaphore, #tpu.memory_space<semaphore_mem>>
      %dma_start3A_79 = tpu.memref_slice %arg3[%add3A_6] : memref<65536xi32, #tpu.memory_space<hbm>> -> memref<256xi32, #tpu.memory_space<hbm>>
      %dma_start3A_80 = tpu.memref_slice %arg3[%add3A_6] : memref<65536xi32, #tpu.memory_space<hbm>> -> memref<256xi32, #tpu.memory_space<hbm>>
      tpu.enqueue_dma source(%dma_start3A_80 : memref<256xi32, #tpu.memory_space<hbm>>) target(%arg6 : memref<256xi32, #tpu.memory_space<vmem>>) target_semaphore(%run_scoped3A : memref<!tpu.dma_semaphore, #tpu.memory_space<semaphore_mem>>)
      %dma_wait3A_81 = tpu.memref_slice %arg3[%add3A_6] : memref<65536xi32, #tpu.memory_space<hbm>> -> memref<256xi32, #tpu.memory_space<hbm>>
      %dma_wait3A_82 = tpu.memref_slice %arg3[%add3A_6] : memref<65536xi32, #tpu.memory_space<hbm>> -> memref<256xi32, #tpu.memory_space<hbm>>
      tpu.wait_dma2 semaphore(%run_scoped3A : memref<!tpu.dma_semaphore, #tpu.memory_space<semaphore_mem>>) src(%dma_wait3A_82 : memref<256xi32, #tpu.memory_space<hbm>>) dst(%arg6 : memref<256xi32, #tpu.memory_space<vmem>>)
      tpu.yield
    }) : () -> ()
    %dma_start3A_7 = arith.constant 0 : i32
    %dma_start3A_8 = arith.constant 0 : i32
    %dma_start3A_9 = tpu.memref_slice %arg2[%dma_start3A_7, %dma_start3A_8] : memref<65536x128xf32, #tpu.memory_space<hbm>> -> memref<65536x128xf32, #tpu.memory_space<hbm>>
    tpu.enqueue_indirect_dma source(%dma_start3A_9 : memref<65536x128xf32, #tpu.memory_space<hbm>>) target(%arg8 : memref<256x128xf32, #tpu.memory_space<vmem>>) offsets(%arg6 : memref<256xi32, #tpu.memory_space<vmem>>) semaphore(%arg10 : memref<!tpu.dma_semaphore, #tpu.memory_space<semaphore_mem>>)
    %dma_wait3A = arith.constant 0 : i32
    %dma_wait3A_10 = arith.constant 0 : i32
    %dma_wait3A_11 = tpu.memref_slice %arg2[%dma_wait3A, %dma_wait3A_10] : memref<65536x128xf32, #tpu.memory_space<hbm>> -> memref<65536x128xf32, #tpu.memory_space<hbm>>
    tpu.wait_indirect_dma semaphore(%arg9 : memref<!tpu.dma_semaphore, #tpu.memory_space<semaphore_mem>>) src(%dma_wait3A_11 : memref<65536x128xf32, #tpu.memory_space<hbm>>) dst(%arg7 : memref<256x128xf32, #tpu.memory_space<vmem>>)
    %add3A_12 = arith.constant 0 : i32
    %add3A_13 = arith.addi %mul3A_2, %add3A_12 : i32
    "tpu.region"() ({
      %run_scoped3A = tpu.sem_alloc : memref<!tpu.dma_semaphore, #tpu.memory_space<semaphore_mem>>
      %dma_start3A_79 = arith.constant 0 : i32
      %dma_start3A_80 = tpu.memref_slice %arg4[%add3A_13, %dma_start3A_79] : memref<65536x128xf32, #tpu.memory_space<hbm>> -> memref<256x128xf32, #tpu.memory_space<hbm>>
      %dma_start3A_81 = arith.constant 0 : i32
      %dma_start3A_82 = tpu.memref_slice %arg4[%add3A_13, %dma_start3A_81] : memref<65536x128xf32, #tpu.memory_space<hbm>> -> memref<256x128xf32, #tpu.memory_space<hbm>>
      tpu.enqueue_dma source(%arg7 : memref<256x128xf32, #tpu.memory_space<vmem>>) target(%dma_start3A_82 : memref<256x128xf32, #tpu.memory_space<hbm>>) target_semaphore(%run_scoped3A : memref<!tpu.dma_semaphore, #tpu.memory_space<semaphore_mem>>)
      %dma_wait3A_83 = arith.constant 0 : i32
      %dma_wait3A_84 = tpu.memref_slice %arg4[%add3A_13, %dma_wait3A_83] : memref<65536x128xf32, #tpu.memory_space<hbm>> -> memref<256x128xf32, #tpu.memory_space<hbm>>
      %dma_wait3A_85 = arith.constant 0 : i32
      %dma_wait3A_86 = tpu.memref_slice %arg4[%add3A_13, %dma_wait3A_85] : memref<65536x128xf32, #tpu.memory_space<hbm>> -> memref<256x128xf32, #tpu.memory_space<hbm>>
      tpu.wait_dma2 semaphore(%run_scoped3A : memref<!tpu.dma_semaphore, #tpu.memory_space<semaphore_mem>>) src(%arg7 : memref<256x128xf32, #tpu.memory_space<vmem>>) dst(%dma_wait3A_86 : memref<256x128xf32, #tpu.memory_space<hbm>>)
      tpu.yield
    }) : () -> ()
    %add3A_14 = arith.constant 512 : i32
    %add3A_15 = arith.addi %mul3A_2, %add3A_14 : i32
    "tpu.region"() ({
      %run_scoped3A = tpu.sem_alloc : memref<!tpu.dma_semaphore, #tpu.memory_space<semaphore_mem>>
      %dma_start3A_79 = tpu.memref_slice %arg3[%add3A_15] : memref<65536xi32, #tpu.memory_space<hbm>> -> memref<256xi32, #tpu.memory_space<hbm>>
      %dma_start3A_80 = tpu.memref_slice %arg3[%add3A_15] : memref<65536xi32, #tpu.memory_space<hbm>> -> memref<256xi32, #tpu.memory_space<hbm>>
      tpu.enqueue_dma source(%dma_start3A_80 : memref<256xi32, #tpu.memory_space<hbm>>) target(%arg5 : memref<256xi32, #tpu.memory_space<vmem>>) target_semaphore(%run_scoped3A : memref<!tpu.dma_semaphore, #tpu.memory_space<semaphore_mem>>)
      %dma_wait3A_81 = tpu.memref_slice %arg3[%add3A_15] : memref<65536xi32, #tpu.memory_space<hbm>> -> memref<256xi32, #tpu.memory_space<hbm>>
      %dma_wait3A_82 = tpu.memref_slice %arg3[%add3A_15] : memref<65536xi32, #tpu.memory_space<hbm>> -> memref<256xi32, #tpu.memory_space<hbm>>
      tpu.wait_dma2 semaphore(%run_scoped3A : memref<!tpu.dma_semaphore, #tpu.memory_space<semaphore_mem>>) src(%dma_wait3A_82 : memref<256xi32, #tpu.memory_space<hbm>>) dst(%arg5 : memref<256xi32, #tpu.memory_space<vmem>>)
      tpu.yield
    }) : () -> ()
    %dma_start3A_16 = arith.constant 0 : i32
    %dma_start3A_17 = arith.constant 0 : i32
    %dma_start3A_18 = tpu.memref_slice %arg2[%dma_start3A_16, %dma_start3A_17] : memref<65536x128xf32, #tpu.memory_space<hbm>> -> memref<65536x128xf32, #tpu.memory_space<hbm>>
    tpu.enqueue_indirect_dma source(%dma_start3A_18 : memref<65536x128xf32, #tpu.memory_space<hbm>>) target(%arg7 : memref<256x128xf32, #tpu.memory_space<vmem>>) offsets(%arg5 : memref<256xi32, #tpu.memory_space<vmem>>) semaphore(%arg9 : memref<!tpu.dma_semaphore, #tpu.memory_space<semaphore_mem>>)
    %dma_wait3A_19 = arith.constant 0 : i32
    %dma_wait3A_20 = arith.constant 0 : i32
    %dma_wait3A_21 = tpu.memref_slice %arg2[%dma_wait3A_19, %dma_wait3A_20] : memref<65536x128xf32, #tpu.memory_space<hbm>> -> memref<65536x128xf32, #tpu.memory_space<hbm>>
    tpu.wait_indirect_dma semaphore(%arg10 : memref<!tpu.dma_semaphore, #tpu.memory_space<semaphore_mem>>) src(%dma_wait3A_21 : memref<65536x128xf32, #tpu.memory_space<hbm>>) dst(%arg8 : memref<256x128xf32, #tpu.memory_space<vmem>>)
    %add3A_22 = arith.constant 256 : i32
    %add3A_23 = arith.addi %mul3A_2, %add3A_22 : i32
    "tpu.region"() ({
      %run_scoped3A = tpu.sem_alloc : memref<!tpu.dma_semaphore, #tpu.memory_space<semaphore_mem>>
      %dma_start3A_79 = arith.constant 0 : i32
      %dma_start3A_80 = tpu.memref_slice %arg4[%add3A_23, %dma_start3A_79] : memref<65536x128xf32, #tpu.memory_space<hbm>> -> memref<256x128xf32, #tpu.memory_space<hbm>>
      %dma_start3A_81 = arith.constant 0 : i32
      %dma_start3A_82 = tpu.memref_slice %arg4[%add3A_23, %dma_start3A_81] : memref<65536x128xf32, #tpu.memory_space<hbm>> -> memref<256x128xf32, #tpu.memory_space<hbm>>
      tpu.enqueue_dma source(%arg8 : memref<256x128xf32, #tpu.memory_space<vmem>>) target(%dma_start3A_82 : memref<256x128xf32, #tpu.memory_space<hbm>>) target_semaphore(%run_scoped3A : memref<!tpu.dma_semaphore, #tpu.memory_space<semaphore_mem>>)
      %dma_wait3A_83 = arith.constant 0 : i32
      %dma_wait3A_84 = tpu.memref_slice %arg4[%add3A_23, %dma_wait3A_83] : memref<65536x128xf32, #tpu.memory_space<hbm>> -> memref<256x128xf32, #tpu.memory_space<hbm>>
      %dma_wait3A_85 = arith.constant 0 : i32
      %dma_wait3A_86 = tpu.memref_slice %arg4[%add3A_23, %dma_wait3A_85] : memref<65536x128xf32, #tpu.memory_space<hbm>> -> memref<256x128xf32, #tpu.memory_space<hbm>>
      tpu.wait_dma2 semaphore(%run_scoped3A : memref<!tpu.dma_semaphore, #tpu.memory_space<semaphore_mem>>) src(%arg8 : memref<256x128xf32, #tpu.memory_space<vmem>>) dst(%dma_wait3A_86 : memref<256x128xf32, #tpu.memory_space<hbm>>)
      tpu.yield
    }) : () -> ()
    %add3A_24 = arith.constant 768 : i32
    %add3A_25 = arith.addi %mul3A_2, %add3A_24 : i32
    "tpu.region"() ({
      %run_scoped3A = tpu.sem_alloc : memref<!tpu.dma_semaphore, #tpu.memory_space<semaphore_mem>>
      %dma_start3A_79 = tpu.memref_slice %arg3[%add3A_25] : memref<65536xi32, #tpu.memory_space<hbm>> -> memref<256xi32, #tpu.memory_space<hbm>>
      %dma_start3A_80 = tpu.memref_slice %arg3[%add3A_25] : memref<65536xi32, #tpu.memory_space<hbm>> -> memref<256xi32, #tpu.memory_space<hbm>>
      tpu.enqueue_dma source(%dma_start3A_80 : memref<256xi32, #tpu.memory_space<hbm>>) target(%arg6 : memref<256xi32, #tpu.memory_space<vmem>>) target_semaphore(%run_scoped3A : memref<!tpu.dma_semaphore, #tpu.memory_space<semaphore_mem>>)
      %dma_wait3A_81 = tpu.memref_slice %arg3[%add3A_25] : memref<65536xi32, #tpu.memory_space<hbm>> -> memref<256xi32, #tpu.memory_space<hbm>>
      %dma_wait3A_82 = tpu.memref_slice %arg3[%add3A_25] : memref<65536xi32, #tpu.memory_space<hbm>> -> memref<256xi32, #tpu.memory_space<hbm>>
      tpu.wait_dma2 semaphore(%run_scoped3A : memref<!tpu.dma_semaphore, #tpu.memory_space<semaphore_mem>>) src(%dma_wait3A_82 : memref<256xi32, #tpu.memory_space<hbm>>) dst(%arg6 : memref<256xi32, #tpu.memory_space<vmem>>)
      tpu.yield
    }) : () -> ()
    %dma_start3A_26 = arith.constant 0 : i32
    %dma_start3A_27 = arith.constant 0 : i32
    %dma_start3A_28 = tpu.memref_slice %arg2[%dma_start3A_26, %dma_start3A_27] : memref<65536x128xf32, #tpu.memory_space<hbm>> -> memref<65536x128xf32, #tpu.memory_space<hbm>>
    tpu.enqueue_indirect_dma source(%dma_start3A_28 : memref<65536x128xf32, #tpu.memory_space<hbm>>) target(%arg8 : memref<256x128xf32, #tpu.memory_space<vmem>>) offsets(%arg6 : memref<256xi32, #tpu.memory_space<vmem>>) semaphore(%arg10 : memref<!tpu.dma_semaphore, #tpu.memory_space<semaphore_mem>>)
    %dma_wait3A_29 = arith.constant 0 : i32
    %dma_wait3A_30 = arith.constant 0 : i32
    %dma_wait3A_31 = tpu.memref_slice %arg2[%dma_wait3A_29, %dma_wait3A_30] : memref<65536x128xf32, #tpu.memory_space<hbm>> -> memref<65536x128xf32, #tpu.memory_space<hbm>>
    tpu.wait_indirect_dma semaphore(%arg9 : memref<!tpu.dma_semaphore, #tpu.memory_space<semaphore_mem>>) src(%dma_wait3A_31 : memref<65536x128xf32, #tpu.memory_space<hbm>>) dst(%arg7 : memref<256x128xf32, #tpu.memory_space<vmem>>)
    %add3A_32 = arith.constant 512 : i32
    %add3A_33 = arith.addi %mul3A_2, %add3A_32 : i32
    "tpu.region"() ({
      %run_scoped3A = tpu.sem_alloc : memref<!tpu.dma_semaphore, #tpu.memory_space<semaphore_mem>>
      %dma_start3A_79 = arith.constant 0 : i32
      %dma_start3A_80 = tpu.memref_slice %arg4[%add3A_33, %dma_start3A_79] : memref<65536x128xf32, #tpu.memory_space<hbm>> -> memref<256x128xf32, #tpu.memory_space<hbm>>
      %dma_start3A_81 = arith.constant 0 : i32
      %dma_start3A_82 = tpu.memref_slice %arg4[%add3A_33, %dma_start3A_81] : memref<65536x128xf32, #tpu.memory_space<hbm>> -> memref<256x128xf32, #tpu.memory_space<hbm>>
      tpu.enqueue_dma source(%arg7 : memref<256x128xf32, #tpu.memory_space<vmem>>) target(%dma_start3A_82 : memref<256x128xf32, #tpu.memory_space<hbm>>) target_semaphore(%run_scoped3A : memref<!tpu.dma_semaphore, #tpu.memory_space<semaphore_mem>>)
      %dma_wait3A_83 = arith.constant 0 : i32
      %dma_wait3A_84 = tpu.memref_slice %arg4[%add3A_33, %dma_wait3A_83] : memref<65536x128xf32, #tpu.memory_space<hbm>> -> memref<256x128xf32, #tpu.memory_space<hbm>>
      %dma_wait3A_85 = arith.constant 0 : i32
      %dma_wait3A_86 = tpu.memref_slice %arg4[%add3A_33, %dma_wait3A_85] : memref<65536x128xf32, #tpu.memory_space<hbm>> -> memref<256x128xf32, #tpu.memory_space<hbm>>
      tpu.wait_dma2 semaphore(%run_scoped3A : memref<!tpu.dma_semaphore, #tpu.memory_space<semaphore_mem>>) src(%arg7 : memref<256x128xf32, #tpu.memory_space<vmem>>) dst(%dma_wait3A_86 : memref<256x128xf32, #tpu.memory_space<hbm>>)
      tpu.yield
    }) : () -> ()
    %add3A_34 = arith.constant 1024 : i32
    %add3A_35 = arith.addi %mul3A_2, %add3A_34 : i32
    "tpu.region"() ({
      %run_scoped3A = tpu.sem_alloc : memref<!tpu.dma_semaphore, #tpu.memory_space<semaphore_mem>>
      %dma_start3A_79 = tpu.memref_slice %arg3[%add3A_35] : memref<65536xi32, #tpu.memory_space<hbm>> -> memref<256xi32, #tpu.memory_space<hbm>>
      %dma_start3A_80 = tpu.memref_slice %arg3[%add3A_35] : memref<65536xi32, #tpu.memory_space<hbm>> -> memref<256xi32, #tpu.memory_space<hbm>>
      tpu.enqueue_dma source(%dma_start3A_80 : memref<256xi32, #tpu.memory_space<hbm>>) target(%arg5 : memref<256xi32, #tpu.memory_space<vmem>>) target_semaphore(%run_scoped3A : memref<!tpu.dma_semaphore, #tpu.memory_space<semaphore_mem>>)
      %dma_wait3A_81 = tpu.memref_slice %arg3[%add3A_35] : memref<65536xi32, #tpu.memory_space<hbm>> -> memref<256xi32, #tpu.memory_space<hbm>>
      %dma_wait3A_82 = tpu.memref_slice %arg3[%add3A_35] : memref<65536xi32, #tpu.memory_space<hbm>> -> memref<256xi32, #tpu.memory_space<hbm>>
      tpu.wait_dma2 semaphore(%run_scoped3A : memref<!tpu.dma_semaphore, #tpu.memory_space<semaphore_mem>>) src(%dma_wait3A_82 : memref<256xi32, #tpu.memory_space<hbm>>) dst(%arg5 : memref<256xi32, #tpu.memory_space<vmem>>)
      tpu.yield
    }) : () -> ()
    %dma_start3A_36 = arith.constant 0 : i32
    %dma_start3A_37 = arith.constant 0 : i32
    %dma_start3A_38 = tpu.memref_slice %arg2[%dma_start3A_36, %dma_start3A_37] : memref<65536x128xf32, #tpu.memory_space<hbm>> -> memref<65536x128xf32, #tpu.memory_space<hbm>>
    tpu.enqueue_indirect_dma source(%dma_start3A_38 : memref<65536x128xf32, #tpu.memory_space<hbm>>) target(%arg7 : memref<256x128xf32, #tpu.memory_space<vmem>>) offsets(%arg5 : memref<256xi32, #tpu.memory_space<vmem>>) semaphore(%arg9 : memref<!tpu.dma_semaphore, #tpu.memory_space<semaphore_mem>>)
    %dma_wait3A_39 = arith.constant 0 : i32
    %dma_wait3A_40 = arith.constant 0 : i32
    %dma_wait3A_41 = tpu.memref_slice %arg2[%dma_wait3A_39, %dma_wait3A_40] : memref<65536x128xf32, #tpu.memory_space<hbm>> -> memref<65536x128xf32, #tpu.memory_space<hbm>>
    tpu.wait_indirect_dma semaphore(%arg10 : memref<!tpu.dma_semaphore, #tpu.memory_space<semaphore_mem>>) src(%dma_wait3A_41 : memref<65536x128xf32, #tpu.memory_space<hbm>>) dst(%arg8 : memref<256x128xf32, #tpu.memory_space<vmem>>)
    %add3A_42 = arith.constant 768 : i32
    %add3A_43 = arith.addi %mul3A_2, %add3A_42 : i32
    "tpu.region"() ({
      %run_scoped3A = tpu.sem_alloc : memref<!tpu.dma_semaphore, #tpu.memory_space<semaphore_mem>>
      %dma_start3A_79 = arith.constant 0 : i32
      %dma_start3A_80 = tpu.memref_slice %arg4[%add3A_43, %dma_start3A_79] : memref<65536x128xf32, #tpu.memory_space<hbm>> -> memref<256x128xf32, #tpu.memory_space<hbm>>
      %dma_start3A_81 = arith.constant 0 : i32
      %dma_start3A_82 = tpu.memref_slice %arg4[%add3A_43, %dma_start3A_81] : memref<65536x128xf32, #tpu.memory_space<hbm>> -> memref<256x128xf32, #tpu.memory_space<hbm>>
      tpu.enqueue_dma source(%arg8 : memref<256x128xf32, #tpu.memory_space<vmem>>) target(%dma_start3A_82 : memref<256x128xf32, #tpu.memory_space<hbm>>) target_semaphore(%run_scoped3A : memref<!tpu.dma_semaphore, #tpu.memory_space<semaphore_mem>>)
      %dma_wait3A_83 = arith.constant 0 : i32
      %dma_wait3A_84 = tpu.memref_slice %arg4[%add3A_43, %dma_wait3A_83] : memref<65536x128xf32, #tpu.memory_space<hbm>> -> memref<256x128xf32, #tpu.memory_space<hbm>>
      %dma_wait3A_85 = arith.constant 0 : i32
      %dma_wait3A_86 = tpu.memref_slice %arg4[%add3A_43, %dma_wait3A_85] : memref<65536x128xf32, #tpu.memory_space<hbm>> -> memref<256x128xf32, #tpu.memory_space<hbm>>
      tpu.wait_dma2 semaphore(%run_scoped3A : memref<!tpu.dma_semaphore, #tpu.memory_space<semaphore_mem>>) src(%arg8 : memref<256x128xf32, #tpu.memory_space<vmem>>) dst(%dma_wait3A_86 : memref<256x128xf32, #tpu.memory_space<hbm>>)
      tpu.yield
    }) : () -> ()
    %add3A_44 = arith.constant 1280 : i32
    %add3A_45 = arith.addi %mul3A_2, %add3A_44 : i32
    "tpu.region"() ({
      %run_scoped3A = tpu.sem_alloc : memref<!tpu.dma_semaphore, #tpu.memory_space<semaphore_mem>>
      %dma_start3A_79 = tpu.memref_slice %arg3[%add3A_45] : memref<65536xi32, #tpu.memory_space<hbm>> -> memref<256xi32, #tpu.memory_space<hbm>>
      %dma_start3A_80 = tpu.memref_slice %arg3[%add3A_45] : memref<65536xi32, #tpu.memory_space<hbm>> -> memref<256xi32, #tpu.memory_space<hbm>>
      tpu.enqueue_dma source(%dma_start3A_80 : memref<256xi32, #tpu.memory_space<hbm>>) target(%arg6 : memref<256xi32, #tpu.memory_space<vmem>>) target_semaphore(%run_scoped3A : memref<!tpu.dma_semaphore, #tpu.memory_space<semaphore_mem>>)
      %dma_wait3A_81 = tpu.memref_slice %arg3[%add3A_45] : memref<65536xi32, #tpu.memory_space<hbm>> -> memref<256xi32, #tpu.memory_space<hbm>>
      %dma_wait3A_82 = tpu.memref_slice %arg3[%add3A_45] : memref<65536xi32, #tpu.memory_space<hbm>> -> memref<256xi32, #tpu.memory_space<hbm>>
      tpu.wait_dma2 semaphore(%run_scoped3A : memref<!tpu.dma_semaphore, #tpu.memory_space<semaphore_mem>>) src(%dma_wait3A_82 : memref<256xi32, #tpu.memory_space<hbm>>) dst(%arg6 : memref<256xi32, #tpu.memory_space<vmem>>)
      tpu.yield
    }) : () -> ()
    %dma_start3A_46 = arith.constant 0 : i32
    %dma_start3A_47 = arith.constant 0 : i32
    %dma_start3A_48 = tpu.memref_slice %arg2[%dma_start3A_46, %dma_start3A_47] : memref<65536x128xf32, #tpu.memory_space<hbm>> -> memref<65536x128xf32, #tpu.memory_space<hbm>>
    tpu.enqueue_indirect_dma source(%dma_start3A_48 : memref<65536x128xf32, #tpu.memory_space<hbm>>) target(%arg8 : memref<256x128xf32, #tpu.memory_space<vmem>>) offsets(%arg6 : memref<256xi32, #tpu.memory_space<vmem>>) semaphore(%arg10 : memref<!tpu.dma_semaphore, #tpu.memory_space<semaphore_mem>>)
    %dma_wait3A_49 = arith.constant 0 : i32
    %dma_wait3A_50 = arith.constant 0 : i32
    %dma_wait3A_51 = tpu.memref_slice %arg2[%dma_wait3A_49, %dma_wait3A_50] : memref<65536x128xf32, #tpu.memory_space<hbm>> -> memref<65536x128xf32, #tpu.memory_space<hbm>>
    tpu.wait_indirect_dma semaphore(%arg9 : memref<!tpu.dma_semaphore, #tpu.memory_space<semaphore_mem>>) src(%dma_wait3A_51 : memref<65536x128xf32, #tpu.memory_space<hbm>>) dst(%arg7 : memref<256x128xf32, #tpu.memory_space<vmem>>)
    %add3A_52 = arith.constant 1024 : i32
    %add3A_53 = arith.addi %mul3A_2, %add3A_52 : i32
    "tpu.region"() ({
      %run_scoped3A = tpu.sem_alloc : memref<!tpu.dma_semaphore, #tpu.memory_space<semaphore_mem>>
      %dma_start3A_79 = arith.constant 0 : i32
      %dma_start3A_80 = tpu.memref_slice %arg4[%add3A_53, %dma_start3A_79] : memref<65536x128xf32, #tpu.memory_space<hbm>> -> memref<256x128xf32, #tpu.memory_space<hbm>>
      %dma_start3A_81 = arith.constant 0 : i32
      %dma_start3A_82 = tpu.memref_slice %arg4[%add3A_53, %dma_start3A_81] : memref<65536x128xf32, #tpu.memory_space<hbm>> -> memref<256x128xf32, #tpu.memory_space<hbm>>
      tpu.enqueue_dma source(%arg7 : memref<256x128xf32, #tpu.memory_space<vmem>>) target(%dma_start3A_82 : memref<256x128xf32, #tpu.memory_space<hbm>>) target_semaphore(%run_scoped3A : memref<!tpu.dma_semaphore, #tpu.memory_space<semaphore_mem>>)
      %dma_wait3A_83 = arith.constant 0 : i32
      %dma_wait3A_84 = tpu.memref_slice %arg4[%add3A_53, %dma_wait3A_83] : memref<65536x128xf32, #tpu.memory_space<hbm>> -> memref<256x128xf32, #tpu.memory_space<hbm>>
      %dma_wait3A_85 = arith.constant 0 : i32
      %dma_wait3A_86 = tpu.memref_slice %arg4[%add3A_53, %dma_wait3A_85] : memref<65536x128xf32, #tpu.memory_space<hbm>> -> memref<256x128xf32, #tpu.memory_space<hbm>>
      tpu.wait_dma2 semaphore(%run_scoped3A : memref<!tpu.dma_semaphore, #tpu.memory_space<semaphore_mem>>) src(%arg7 : memref<256x128xf32, #tpu.memory_space<vmem>>) dst(%dma_wait3A_86 : memref<256x128xf32, #tpu.memory_space<hbm>>)
      tpu.yield
    }) : () -> ()
    %add3A_54 = arith.constant 1536 : i32
    %add3A_55 = arith.addi %mul3A_2, %add3A_54 : i32
    "tpu.region"() ({
      %run_scoped3A = tpu.sem_alloc : memref<!tpu.dma_semaphore, #tpu.memory_space<semaphore_mem>>
      %dma_start3A_79 = tpu.memref_slice %arg3[%add3A_55] : memref<65536xi32, #tpu.memory_space<hbm>> -> memref<256xi32, #tpu.memory_space<hbm>>
      %dma_start3A_80 = tpu.memref_slice %arg3[%add3A_55] : memref<65536xi32, #tpu.memory_space<hbm>> -> memref<256xi32, #tpu.memory_space<hbm>>
      tpu.enqueue_dma source(%dma_start3A_80 : memref<256xi32, #tpu.memory_space<hbm>>) target(%arg5 : memref<256xi32, #tpu.memory_space<vmem>>) target_semaphore(%run_scoped3A : memref<!tpu.dma_semaphore, #tpu.memory_space<semaphore_mem>>)
      %dma_wait3A_81 = tpu.memref_slice %arg3[%add3A_55] : memref<65536xi32, #tpu.memory_space<hbm>> -> memref<256xi32, #tpu.memory_space<hbm>>
      %dma_wait3A_82 = tpu.memref_slice %arg3[%add3A_55] : memref<65536xi32, #tpu.memory_space<hbm>> -> memref<256xi32, #tpu.memory_space<hbm>>
      tpu.wait_dma2 semaphore(%run_scoped3A : memref<!tpu.dma_semaphore, #tpu.memory_space<semaphore_mem>>) src(%dma_wait3A_82 : memref<256xi32, #tpu.memory_space<hbm>>) dst(%arg5 : memref<256xi32, #tpu.memory_space<vmem>>)
      tpu.yield
    }) : () -> ()
    %dma_start3A_56 = arith.constant 0 : i32
    %dma_start3A_57 = arith.constant 0 : i32
    %dma_start3A_58 = tpu.memref_slice %arg2[%dma_start3A_56, %dma_start3A_57] : memref<65536x128xf32, #tpu.memory_space<hbm>> -> memref<65536x128xf32, #tpu.memory_space<hbm>>
    tpu.enqueue_indirect_dma source(%dma_start3A_58 : memref<65536x128xf32, #tpu.memory_space<hbm>>) target(%arg7 : memref<256x128xf32, #tpu.memory_space<vmem>>) offsets(%arg5 : memref<256xi32, #tpu.memory_space<vmem>>) semaphore(%arg9 : memref<!tpu.dma_semaphore, #tpu.memory_space<semaphore_mem>>)
    %dma_wait3A_59 = arith.constant 0 : i32
    %dma_wait3A_60 = arith.constant 0 : i32
    %dma_wait3A_61 = tpu.memref_slice %arg2[%dma_wait3A_59, %dma_wait3A_60] : memref<65536x128xf32, #tpu.memory_space<hbm>> -> memref<65536x128xf32, #tpu.memory_space<hbm>>
    tpu.wait_indirect_dma semaphore(%arg10 : memref<!tpu.dma_semaphore, #tpu.memory_space<semaphore_mem>>) src(%dma_wait3A_61 : memref<65536x128xf32, #tpu.memory_space<hbm>>) dst(%arg8 : memref<256x128xf32, #tpu.memory_space<vmem>>)
    %add3A_62 = arith.constant 1280 : i32
    %add3A_63 = arith.addi %mul3A_2, %add3A_62 : i32
    "tpu.region"() ({
      %run_scoped3A = tpu.sem_alloc : memref<!tpu.dma_semaphore, #tpu.memory_space<semaphore_mem>>
      %dma_start3A_79 = arith.constant 0 : i32
      %dma_start3A_80 = tpu.memref_slice %arg4[%add3A_63, %dma_start3A_79] : memref<65536x128xf32, #tpu.memory_space<hbm>> -> memref<256x128xf32, #tpu.memory_space<hbm>>
      %dma_start3A_81 = arith.constant 0 : i32
      %dma_start3A_82 = tpu.memref_slice %arg4[%add3A_63, %dma_start3A_81] : memref<65536x128xf32, #tpu.memory_space<hbm>> -> memref<256x128xf32, #tpu.memory_space<hbm>>
      tpu.enqueue_dma source(%arg8 : memref<256x128xf32, #tpu.memory_space<vmem>>) target(%dma_start3A_82 : memref<256x128xf32, #tpu.memory_space<hbm>>) target_semaphore(%run_scoped3A : memref<!tpu.dma_semaphore, #tpu.memory_space<semaphore_mem>>)
      %dma_wait3A_83 = arith.constant 0 : i32
      %dma_wait3A_84 = tpu.memref_slice %arg4[%add3A_63, %dma_wait3A_83] : memref<65536x128xf32, #tpu.memory_space<hbm>> -> memref<256x128xf32, #tpu.memory_space<hbm>>
      %dma_wait3A_85 = arith.constant 0 : i32
      %dma_wait3A_86 = tpu.memref_slice %arg4[%add3A_63, %dma_wait3A_85] : memref<65536x128xf32, #tpu.memory_space<hbm>> -> memref<256x128xf32, #tpu.memory_space<hbm>>
      tpu.wait_dma2 semaphore(%run_scoped3A : memref<!tpu.dma_semaphore, #tpu.memory_space<semaphore_mem>>) src(%arg8 : memref<256x128xf32, #tpu.memory_space<vmem>>) dst(%dma_wait3A_86 : memref<256x128xf32, #tpu.memory_space<hbm>>)
      tpu.yield
    }) : () -> ()
    %add3A_64 = arith.constant 1792 : i32
    %add3A_65 = arith.addi %mul3A_2, %add3A_64 : i32
    "tpu.region"() ({
      %run_scoped3A = tpu.sem_alloc : memref<!tpu.dma_semaphore, #tpu.memory_space<semaphore_mem>>
      %dma_start3A_79 = tpu.memref_slice %arg3[%add3A_65] : memref<65536xi32, #tpu.memory_space<hbm>> -> memref<256xi32, #tpu.memory_space<hbm>>
      %dma_start3A_80 = tpu.memref_slice %arg3[%add3A_65] : memref<65536xi32, #tpu.memory_space<hbm>> -> memref<256xi32, #tpu.memory_space<hbm>>
      tpu.enqueue_dma source(%dma_start3A_80 : memref<256xi32, #tpu.memory_space<hbm>>) target(%arg6 : memref<256xi32, #tpu.memory_space<vmem>>) target_semaphore(%run_scoped3A : memref<!tpu.dma_semaphore, #tpu.memory_space<semaphore_mem>>)
      %dma_wait3A_81 = tpu.memref_slice %arg3[%add3A_65] : memref<65536xi32, #tpu.memory_space<hbm>> -> memref<256xi32, #tpu.memory_space<hbm>>
      %dma_wait3A_82 = tpu.memref_slice %arg3[%add3A_65] : memref<65536xi32, #tpu.memory_space<hbm>> -> memref<256xi32, #tpu.memory_space<hbm>>
      tpu.wait_dma2 semaphore(%run_scoped3A : memref<!tpu.dma_semaphore, #tpu.memory_space<semaphore_mem>>) src(%dma_wait3A_82 : memref<256xi32, #tpu.memory_space<hbm>>) dst(%arg6 : memref<256xi32, #tpu.memory_space<vmem>>)
      tpu.yield
    }) : () -> ()
    %dma_start3A_66 = arith.constant 0 : i32
    %dma_start3A_67 = arith.constant 0 : i32
    %dma_start3A_68 = tpu.memref_slice %arg2[%dma_start3A_66, %dma_start3A_67] : memref<65536x128xf32, #tpu.memory_space<hbm>> -> memref<65536x128xf32, #tpu.memory_space<hbm>>
    tpu.enqueue_indirect_dma source(%dma_start3A_68 : memref<65536x128xf32, #tpu.memory_space<hbm>>) target(%arg8 : memref<256x128xf32, #tpu.memory_space<vmem>>) offsets(%arg6 : memref<256xi32, #tpu.memory_space<vmem>>) semaphore(%arg10 : memref<!tpu.dma_semaphore, #tpu.memory_space<semaphore_mem>>)
    %dma_wait3A_69 = arith.constant 0 : i32
    %dma_wait3A_70 = arith.constant 0 : i32
    %dma_wait3A_71 = tpu.memref_slice %arg2[%dma_wait3A_69, %dma_wait3A_70] : memref<65536x128xf32, #tpu.memory_space<hbm>> -> memref<65536x128xf32, #tpu.memory_space<hbm>>
    tpu.wait_indirect_dma semaphore(%arg9 : memref<!tpu.dma_semaphore, #tpu.memory_space<semaphore_mem>>) src(%dma_wait3A_71 : memref<65536x128xf32, #tpu.memory_space<hbm>>) dst(%arg7 : memref<256x128xf32, #tpu.memory_space<vmem>>)
    %add3A_72 = arith.constant 1536 : i32
    %add3A_73 = arith.addi %mul3A_2, %add3A_72 : i32
    "tpu.region"() ({
      %run_scoped3A = tpu.sem_alloc : memref<!tpu.dma_semaphore, #tpu.memory_space<semaphore_mem>>
      %dma_start3A_79 = arith.constant 0 : i32
      %dma_start3A_80 = tpu.memref_slice %arg4[%add3A_73, %dma_start3A_79] : memref<65536x128xf32, #tpu.memory_space<hbm>> -> memref<256x128xf32, #tpu.memory_space<hbm>>
      %dma_start3A_81 = arith.constant 0 : i32
      %dma_start3A_82 = tpu.memref_slice %arg4[%add3A_73, %dma_start3A_81] : memref<65536x128xf32, #tpu.memory_space<hbm>> -> memref<256x128xf32, #tpu.memory_space<hbm>>
      tpu.enqueue_dma source(%arg7 : memref<256x128xf32, #tpu.memory_space<vmem>>) target(%dma_start3A_82 : memref<256x128xf32, #tpu.memory_space<hbm>>) target_semaphore(%run_scoped3A : memref<!tpu.dma_semaphore, #tpu.memory_space<semaphore_mem>>)
      %dma_wait3A_83 = arith.constant 0 : i32
      %dma_wait3A_84 = tpu.memref_slice %arg4[%add3A_73, %dma_wait3A_83] : memref<65536x128xf32, #tpu.memory_space<hbm>> -> memref<256x128xf32, #tpu.memory_space<hbm>>
      %dma_wait3A_85 = arith.constant 0 : i32
      %dma_wait3A_86 = tpu.memref_slice %arg4[%add3A_73, %dma_wait3A_85] : memref<65536x128xf32, #tpu.memory_space<hbm>> -> memref<256x128xf32, #tpu.memory_space<hbm>>
      tpu.wait_dma2 semaphore(%run_scoped3A : memref<!tpu.dma_semaphore, #tpu.memory_space<semaphore_mem>>) src(%arg7 : memref<256x128xf32, #tpu.memory_space<vmem>>) dst(%dma_wait3A_86 : memref<256x128xf32, #tpu.memory_space<hbm>>)
      tpu.yield
    }) : () -> ()
    %dma_wait3A_74 = arith.constant 0 : i32
    %dma_wait3A_75 = arith.constant 0 : i32
    %dma_wait3A_76 = tpu.memref_slice %arg2[%dma_wait3A_74, %dma_wait3A_75] : memref<65536x128xf32, #tpu.memory_space<hbm>> -> memref<65536x128xf32, #tpu.memory_space<hbm>>
    tpu.wait_indirect_dma semaphore(%arg10 : memref<!tpu.dma_semaphore, #tpu.memory_space<semaphore_mem>>) src(%dma_wait3A_76 : memref<65536x128xf32, #tpu.memory_space<hbm>>) dst(%arg8 : memref<256x128xf32, #tpu.memory_space<vmem>>)
    %add3A_77 = arith.constant 1792 : i32
    %add3A_78 = arith.addi %mul3A_2, %add3A_77 : i32
    "tpu.region"() ({
      %run_scoped3A = tpu.sem_alloc : memref<!tpu.dma_semaphore, #tpu.memory_space<semaphore_mem>>
      %dma_start3A_79 = arith.constant 0 : i32
      %dma_start3A_80 = tpu.memref_slice %arg4[%add3A_78, %dma_start3A_79] : memref<65536x128xf32, #tpu.memory_space<hbm>> -> memref<256x128xf32, #tpu.memory_space<hbm>>
      %dma_start3A_81 = arith.constant 0 : i32
      %dma_start3A_82 = tpu.memref_slice %arg4[%add3A_78, %dma_start3A_81] : memref<65536x128xf32, #tpu.memory_space<hbm>> -> memref<256x128xf32, #tpu.memory_space<hbm>>
      tpu.enqueue_dma source(%arg8 : memref<256x128xf32, #tpu.memory_space<vmem>>) target(%dma_start3A_82 : memref<256x128xf32, #tpu.memory_space<hbm>>) target_semaphore(%run_scoped3A : memref<!tpu.dma_semaphore, #tpu.memory_space<semaphore_mem>>)
      %dma_wait3A_83 = arith.constant 0 : i32
      %dma_wait3A_84 = tpu.memref_slice %arg4[%add3A_78, %dma_wait3A_83] : memref<65536x128xf32, #tpu.memory_space<hbm>> -> memref<256x128xf32, #tpu.memory_space<hbm>>
      %dma_wait3A_85 = arith.constant 0 : i32
      %dma_wait3A_86 = tpu.memref_slice %arg4[%add3A_78, %dma_wait3A_85] : memref<65536x128xf32, #tpu.memory_space<hbm>> -> memref<256x128xf32, #tpu.memory_space<hbm>>
      tpu.wait_dma2 semaphore(%run_scoped3A : memref<!tpu.dma_semaphore, #tpu.memory_space<semaphore_mem>>) src(%arg8 : memref<256x128xf32, #tpu.memory_space<vmem>>) dst(%dma_wait3A_86 : memref<256x128xf32, #tpu.memory_space<hbm>>)
      tpu.yield
    }) : () -> ()
    return
  }
}

module attributes {stable_mosaic.version = 14 : i64} {
  func.func @_select_kernel(%arg0: i32, %arg1: i32, %arg2: memref<16x3x3xf32, #tpu.memory_space<smem>>, %arg3: memref<16x1x3xf32, #tpu.memory_space<smem>>, %arg4: memref<1x3x2048xf32, #tpu.memory_space<vmem>>, %arg5: memref<1x3x2048xf32, #tpu.memory_space<vmem>>, %arg6: memref<1x4096x12xbf16, #tpu.memory_space<vmem>>, %arg7: memref<1x1x2048xi32, #tpu.memory_space<vmem>>, %arg8: memref<1x1x1xf32, #tpu.memory_space<vmem>>, %arg9: memref<1x3x2048xf32, #tpu.memory_space<vmem>>) attributes {dimension_semantics = [#tpu.dimension_semantics<arbitrary>, #tpu.dimension_semantics<arbitrary>], iteration_bounds = array<i64: 16, 2>, scalar_prefetch = 0 : i64, scratch_operands = 0 : i64, tpu.core_type = #tpu.core_type<tc>, window_params = [{transform_indices = @transform_0, window_bounds = array<i64: 16, 3, 3>}, {transform_indices = @transform_1, window_bounds = array<i64: 16, 1, 3>}, {transform_indices = @transform_2, window_bounds = array<i64: 1, 3, 2048>}, {transform_indices = @transform_3, window_bounds = array<i64: 1, 3, 2048>}, {transform_indices = @transform_4, window_bounds = array<i64: 1, 4096, 12>}, {transform_indices = @transform_5, window_bounds = array<i64: 1, 1, 2048>}, {transform_indices = @transform_6, window_bounds = array<i64: 1, 1, 1>}, {transform_indices = @transform_7, window_bounds = array<i64: 1, 3, 2048>}]} {
    %get3A = arith.constant 0 : index
    %get3A_0 = arith.constant 0 : index
    %get3A_1 = arith.constant 0 : index
    %get3A_2 = vector.load %arg4[%get3A, %get3A_0, %get3A_1] : memref<1x3x2048xf32, #tpu.memory_space<vmem>>, vector<1x1x2048xf32>
    %get3A_3 = vector.shape_cast %get3A_2 : vector<1x1x2048xf32> to vector<1x2048xf32>
    %get3A_4 = arith.constant 0 : index
    %get3A_5 = arith.constant 1 : index
    %get3A_6 = arith.constant 0 : index
    %get3A_7 = vector.load %arg4[%get3A_4, %get3A_5, %get3A_6] : memref<1x3x2048xf32, #tpu.memory_space<vmem>>, vector<1x1x2048xf32>
    %get3A_8 = vector.shape_cast %get3A_7 : vector<1x1x2048xf32> to vector<1x2048xf32>
    %get3A_9 = arith.constant 0 : index
    %get3A_10 = arith.constant 2 : index
    %get3A_11 = arith.constant 0 : index
    %get3A_12 = vector.load %arg4[%get3A_9, %get3A_10, %get3A_11] : memref<1x3x2048xf32, #tpu.memory_space<vmem>>, vector<1x1x2048xf32>
    %get3A_13 = vector.shape_cast %get3A_12 : vector<1x1x2048xf32> to vector<1x2048xf32>
    %get3A_14 = arith.index_cast %arg0 : i32 to index
    %get3A_15 = arith.constant 0 : index
    %get3A_16 = arith.constant 0 : index
    %get3A_17 = memref.load %arg2[%get3A_14, %get3A_15, %get3A_16] : memref<16x3x3xf32, #tpu.memory_space<smem>>
    %mul3A = vector.broadcast %get3A_17 : f32 to vector<1x2048xf32>
    %mul3A_18 = arith.mulf %get3A_3, %mul3A : vector<1x2048xf32>
    %get3A_19 = arith.index_cast %arg0 : i32 to index
    %get3A_20 = arith.constant 0 : index
    %get3A_21 = arith.constant 1 : index
    %get3A_22 = memref.load %arg2[%get3A_19, %get3A_20, %get3A_21] : memref<16x3x3xf32, #tpu.memory_space<smem>>
    %mul3A_23 = vector.broadcast %get3A_22 : f32 to vector<1x2048xf32>
    %mul3A_24 = arith.mulf %get3A_8, %mul3A_23 : vector<1x2048xf32>
    %add3A = arith.addf %mul3A_18, %mul3A_24 : vector<1x2048xf32>
    %get3A_25 = arith.index_cast %arg0 : i32 to index
    %get3A_26 = arith.constant 0 : index
    %get3A_27 = arith.constant 2 : index
    %get3A_28 = memref.load %arg2[%get3A_25, %get3A_26, %get3A_27] : memref<16x3x3xf32, #tpu.memory_space<smem>>
    %mul3A_29 = vector.broadcast %get3A_28 : f32 to vector<1x2048xf32>
    %mul3A_30 = arith.mulf %get3A_13, %mul3A_29 : vector<1x2048xf32>
    %add3A_31 = arith.addf %add3A, %mul3A_30 : vector<1x2048xf32>
    %get3A_32 = arith.index_cast %arg0 : i32 to index
    %get3A_33 = arith.constant 0 : index
    %get3A_34 = arith.constant 0 : index
    %get3A_35 = memref.load %arg3[%get3A_32, %get3A_33, %get3A_34] : memref<16x1x3xf32, #tpu.memory_space<smem>>
    %add3A_36 = vector.broadcast %get3A_35 : f32 to vector<1x2048xf32>
    %add3A_37 = arith.addf %add3A_31, %add3A_36 : vector<1x2048xf32>
    %get3A_38 = arith.index_cast %arg0 : i32 to index
    %get3A_39 = arith.constant 1 : index
    %get3A_40 = arith.constant 0 : index
    %get3A_41 = memref.load %arg2[%get3A_38, %get3A_39, %get3A_40] : memref<16x3x3xf32, #tpu.memory_space<smem>>
    %mul3A_42 = vector.broadcast %get3A_41 : f32 to vector<1x2048xf32>
    %mul3A_43 = arith.mulf %get3A_3, %mul3A_42 : vector<1x2048xf32>
    %get3A_44 = arith.index_cast %arg0 : i32 to index
    %get3A_45 = arith.constant 1 : index
    %get3A_46 = arith.constant 1 : index
    %get3A_47 = memref.load %arg2[%get3A_44, %get3A_45, %get3A_46] : memref<16x3x3xf32, #tpu.memory_space<smem>>
    %mul3A_48 = vector.broadcast %get3A_47 : f32 to vector<1x2048xf32>
    %mul3A_49 = arith.mulf %get3A_8, %mul3A_48 : vector<1x2048xf32>
    %add3A_50 = arith.addf %mul3A_43, %mul3A_49 : vector<1x2048xf32>
    %get3A_51 = arith.index_cast %arg0 : i32 to index
    %get3A_52 = arith.constant 1 : index
    %get3A_53 = arith.constant 2 : index
    %get3A_54 = memref.load %arg2[%get3A_51, %get3A_52, %get3A_53] : memref<16x3x3xf32, #tpu.memory_space<smem>>
    %mul3A_55 = vector.broadcast %get3A_54 : f32 to vector<1x2048xf32>
    %mul3A_56 = arith.mulf %get3A_13, %mul3A_55 : vector<1x2048xf32>
    %add3A_57 = arith.addf %add3A_50, %mul3A_56 : vector<1x2048xf32>
    %get3A_58 = arith.index_cast %arg0 : i32 to index
    %get3A_59 = arith.constant 0 : index
    %get3A_60 = arith.constant 1 : index
    %get3A_61 = memref.load %arg3[%get3A_58, %get3A_59, %get3A_60] : memref<16x1x3xf32, #tpu.memory_space<smem>>
    %add3A_62 = vector.broadcast %get3A_61 : f32 to vector<1x2048xf32>
    %add3A_63 = arith.addf %add3A_57, %add3A_62 : vector<1x2048xf32>
    %get3A_64 = arith.index_cast %arg0 : i32 to index
    %get3A_65 = arith.constant 2 : index
    %get3A_66 = arith.constant 0 : index
    %get3A_67 = memref.load %arg2[%get3A_64, %get3A_65, %get3A_66] : memref<16x3x3xf32, #tpu.memory_space<smem>>
    %mul3A_68 = vector.broadcast %get3A_67 : f32 to vector<1x2048xf32>
    %mul3A_69 = arith.mulf %get3A_3, %mul3A_68 : vector<1x2048xf32>
    %get3A_70 = arith.index_cast %arg0 : i32 to index
    %get3A_71 = arith.constant 2 : index
    %get3A_72 = arith.constant 1 : index
    %get3A_73 = memref.load %arg2[%get3A_70, %get3A_71, %get3A_72] : memref<16x3x3xf32, #tpu.memory_space<smem>>
    %mul3A_74 = vector.broadcast %get3A_73 : f32 to vector<1x2048xf32>
    %mul3A_75 = arith.mulf %get3A_8, %mul3A_74 : vector<1x2048xf32>
    %add3A_76 = arith.addf %mul3A_69, %mul3A_75 : vector<1x2048xf32>
    %get3A_77 = arith.index_cast %arg0 : i32 to index
    %get3A_78 = arith.constant 2 : index
    %get3A_79 = arith.constant 2 : index
    %get3A_80 = memref.load %arg2[%get3A_77, %get3A_78, %get3A_79] : memref<16x3x3xf32, #tpu.memory_space<smem>>
    %mul3A_81 = vector.broadcast %get3A_80 : f32 to vector<1x2048xf32>
    %mul3A_82 = arith.mulf %get3A_13, %mul3A_81 : vector<1x2048xf32>
    %add3A_83 = arith.addf %add3A_76, %mul3A_82 : vector<1x2048xf32>
    %get3A_84 = arith.index_cast %arg0 : i32 to index
    %get3A_85 = arith.constant 0 : index
    %get3A_86 = arith.constant 2 : index
    %get3A_87 = memref.load %arg3[%get3A_84, %get3A_85, %get3A_86] : memref<16x1x3xf32, #tpu.memory_space<smem>>
    %add3A_88 = vector.broadcast %get3A_87 : f32 to vector<1x2048xf32>
    %add3A_89 = arith.addf %add3A_83, %add3A_88 : vector<1x2048xf32>
    %broadcast_in_dim3A = arith.constant 1.000000e+00 : f32
    %broadcast_in_dim3A_90 = vector.broadcast %broadcast_in_dim3A : f32 to vector<1x2048xf32>
    %concatenate3A = tpu.concatenate %add3A_37, %add3A_63, %add3A_89, %broadcast_in_dim3A_90 in 0 : vector<1x2048xf32>, vector<1x2048xf32>, vector<1x2048xf32>, vector<1x2048xf32> -> vector<4x2048xf32>
    %convert_element_type3A = arith.truncf %concatenate3A : vector<4x2048xf32> to vector<4x2048xbf16>
    %convert_element_type3A_91 = arith.extf %convert_element_type3A : vector<4x2048xbf16> to vector<4x2048xf32>
    %sub3A = arith.subf %concatenate3A, %convert_element_type3A_91 : vector<4x2048xf32>
    %convert_element_type3A_92 = arith.truncf %sub3A : vector<4x2048xf32> to vector<4x2048xbf16>
    %concatenate3A_93 = tpu.concatenate %convert_element_type3A, %convert_element_type3A, %convert_element_type3A_92 in 0 : vector<4x2048xbf16>, vector<4x2048xbf16>, vector<4x2048xbf16> -> vector<12x2048xbf16>
    %get3A_94 = arith.constant 0 : index
    %get3A_95 = arith.constant 0 : index
    %get3A_96 = arith.constant 0 : index
    %get3A_97 = vector.load %arg6[%get3A_94, %get3A_95, %get3A_96] : memref<1x4096x12xbf16, #tpu.memory_space<vmem>>, vector<1x4096x12xbf16>
    %get3A_98 = vector.shape_cast %get3A_97 : vector<1x4096x12xbf16> to vector<4096x12xbf16>
    %dot_general3A = arith.constant dense<0.000000e+00> : vector<4096x2048xf32>
    %dot_general3A_99 = tpu.matmul %get3A_98, %concatenate3A_93, %dot_general3A {dimension_numbers = #tpu.dot_dimension_numbers<[1], [0], [0], [1], [0, 0, 1, 1], [], []>, transpose_lhs_hint = false} : vector<4096x12xbf16>, vector<12x2048xbf16>, vector<4096x2048xf32> -> vector<4096x2048xf32>
    %argmin3A = tpu.reduce_index %dot_general3A_99 {axis = 0 : i32, kind = #tpu.reduction_kind<arg_min>} : vector<4096x2048xf32> -> vector<2048xi32>
    %broadcast_in_dim3A_100 = vector.shape_cast %argmin3A : vector<2048xi32> to vector<1x2048xi32>
    %mul3A_101 = arith.constant 4096 : i32
    %mul3A_102 = arith.muli %arg0, %mul3A_101 : i32
    %add3A_103 = vector.broadcast %mul3A_102 : i32 to vector<1x2048xi32>
    %add3A_104 = arith.addi %broadcast_in_dim3A_100, %add3A_103 : vector<1x2048xi32>
    %broadcast_in_dim3A_105 = vector.shape_cast %add3A_104 : vector<1x2048xi32> to vector<1x1x2048xi32>
    %swap3A = arith.constant 0 : index
    %swap3A_106 = arith.constant 0 : index
    %swap3A_107 = arith.constant 0 : index
    %swap3A_108 = vector.load %arg7[%swap3A, %swap3A_106, %swap3A_107] : memref<1x1x2048xi32, #tpu.memory_space<vmem>>, vector<1x1x2048xi32>
    tpu.vector_store %arg7[%swap3A, %swap3A_106, %swap3A_107], %broadcast_in_dim3A_105 {strides = array<i32>} : memref<1x1x2048xi32, #tpu.memory_space<vmem>>, vector<1x1x2048xi32>,
    %concatenate3A_109 = tpu.concatenate %add3A_37, %add3A_63, %add3A_89 in 0 : vector<1x2048xf32>, vector<1x2048xf32>, vector<1x2048xf32> -> vector<3x2048xf32>
    %broadcast_in_dim3A_110 = vector.shape_cast %concatenate3A_109 : vector<3x2048xf32> to vector<1x3x2048xf32>
    %swap3A_111 = arith.constant 0 : index
    %swap3A_112 = arith.constant 0 : index
    %swap3A_113 = arith.constant 0 : index
    %swap3A_114 = vector.load %arg9[%swap3A_111, %swap3A_112, %swap3A_113] : memref<1x3x2048xf32, #tpu.memory_space<vmem>>, vector<1x3x2048xf32>
    tpu.vector_store %arg9[%swap3A_111, %swap3A_112, %swap3A_113], %broadcast_in_dim3A_110 {strides = array<i32>} : memref<1x3x2048xf32, #tpu.memory_space<vmem>>, vector<1x3x2048xf32>,
    %get3A_115 = arith.constant 0 : index
    %get3A_116 = arith.constant 0 : index
    %get3A_117 = arith.constant 0 : index
    %get3A_118 = vector.load %arg5[%get3A_115, %get3A_116, %get3A_117] : memref<1x3x2048xf32, #tpu.memory_space<vmem>>, vector<1x1x2048xf32>
    %get3A_119 = vector.shape_cast %get3A_118 : vector<1x1x2048xf32> to vector<1x2048xf32>
    %sub3A_120 = arith.subf %add3A_37, %get3A_119 : vector<1x2048xf32>
    %get3A_121 = arith.constant 0 : index
    %get3A_122 = arith.constant 1 : index
    %get3A_123 = arith.constant 0 : index
    %get3A_124 = vector.load %arg5[%get3A_121, %get3A_122, %get3A_123] : memref<1x3x2048xf32, #tpu.memory_space<vmem>>, vector<1x1x2048xf32>
    %get3A_125 = vector.shape_cast %get3A_124 : vector<1x1x2048xf32> to vector<1x2048xf32>
    %sub3A_126 = arith.subf %add3A_63, %get3A_125 : vector<1x2048xf32>
    %get3A_127 = arith.constant 0 : index
    %get3A_128 = arith.constant 2 : index
    %get3A_129 = arith.constant 0 : index
    %get3A_130 = vector.load %arg5[%get3A_127, %get3A_128, %get3A_129] : memref<1x3x2048xf32, #tpu.memory_space<vmem>>, vector<1x1x2048xf32>
    %get3A_131 = vector.shape_cast %get3A_130 : vector<1x1x2048xf32> to vector<1x2048xf32>
    %sub3A_132 = arith.subf %add3A_89, %get3A_131 : vector<1x2048xf32>
    %mul3A_133 = arith.mulf %sub3A_120, %sub3A_120 : vector<1x2048xf32>
    %mul3A_134 = arith.mulf %sub3A_126, %sub3A_126 : vector<1x2048xf32>
    %add3A_135 = arith.addf %mul3A_133, %mul3A_134 : vector<1x2048xf32>
    %mul3A_136 = arith.mulf %sub3A_132, %sub3A_132 : vector<1x2048xf32>
    %add3A_137 = arith.addf %add3A_135, %mul3A_136 : vector<1x2048xf32>
    %sqrt3A = math.sqrt %add3A_137 : vector<1x2048xf32>
    %reduce_sum3A = arith.constant dense<0.000000e+00> : vector<1xf32>
    %reduce_sum3A_138 = vector.multi_reduction <add>, %sqrt3A, %reduce_sum3A [1] : vector<1x2048xf32> to vector<1xf32>
    %broadcast_in_dim3A_139 = vector.shape_cast %reduce_sum3A_138 : vector<1xf32> to vector<1x1xf32>
    %eq3A = arith.constant 0 : i32
    %eq3A_140 = arith.cmpi eq, %arg1, %eq3A : i32
    %convert_element_type3A_141 = arith.extui %eq3A_140 : i1 to i32
    %cond3A = arith.constant 0 : i32
    %cond3A_142 = arith.cmpi ne, %convert_element_type3A_141, %cond3A : i32
    scf.if %cond3A_142 {
      %broadcast_in_dim3A_153 = arith.constant 0.000000e+00 : f32
      %broadcast_in_dim3A_154 = vector.broadcast %broadcast_in_dim3A_153 : f32 to vector<1x1x1xf32>
      %swap3A_155 = arith.constant 0 : index
      %swap3A_156 = arith.constant 0 : index
      %swap3A_157 = arith.constant 0 : index
      %swap3A_158 = vector.load %arg8[%swap3A_155, %swap3A_156, %swap3A_157] : memref<1x1x1xf32, #tpu.memory_space<vmem>>, vector<1x1x1xf32>
      tpu.vector_store %arg8[%swap3A_155, %swap3A_156, %swap3A_157], %broadcast_in_dim3A_154 {strides = array<i32>} : memref<1x1x1xf32, #tpu.memory_space<vmem>>, vector<1x1x1xf32>,
    } else {
    }
    %get3A_143 = arith.constant 0 : index
    %get3A_144 = arith.constant 0 : index
    %get3A_145 = arith.constant 0 : index
    %get3A_146 = vector.load %arg8[%get3A_143, %get3A_144, %get3A_145] : memref<1x1x1xf32, #tpu.memory_space<vmem>>, vector<1x1x1xf32>
    %broadcast_in_dim3A_147 = vector.shape_cast %broadcast_in_dim3A_139 : vector<1x1xf32> to vector<1x1x1xf32>
    %add3A_148 = arith.addf %get3A_146, %broadcast_in_dim3A_147 : vector<1x1x1xf32>
    %swap3A_149 = arith.constant 0 : index
    %swap3A_150 = arith.constant 0 : index
    %swap3A_151 = arith.constant 0 : index
    %swap3A_152 = vector.load %arg8[%swap3A_149, %swap3A_150, %swap3A_151] : memref<1x1x1xf32, #tpu.memory_space<vmem>>, vector<1x1x1xf32>
    tpu.vector_store %arg8[%swap3A_149, %swap3A_150, %swap3A_151], %add3A_148 {strides = array<i32>} : memref<1x1x1xf32, #tpu.memory_space<vmem>>, vector<1x1x1xf32>,
    return
  }
  func.func @transform_0(%arg0: i32, %arg1: i32) -> (i32, i32, i32) {
    %c0_i32 = arith.constant 0 : i32
    %c0_i32_0 = arith.constant 0 : i32
    %c0_i32_1 = arith.constant 0 : i32
    %c0_i32_2 = arith.constant 0 : i32
    return %c0_i32, %c0_i32_0, %c0_i32_1 : i32, i32, i32
  }
  func.func @transform_1(%arg0: i32, %arg1: i32) -> (i32, i32, i32) {
    %c0_i32 = arith.constant 0 : i32
    %c0_i32_0 = arith.constant 0 : i32
    %c0_i32_1 = arith.constant 0 : i32
    %c0_i32_2 = arith.constant 0 : i32
    return %c0_i32, %c0_i32_0, %c0_i32_1 : i32, i32, i32
  }
  func.func @transform_2(%arg0: i32, %arg1: i32) -> (i32, i32, i32) {
    %c0_i32 = arith.constant 0 : i32
    %c0_i32_0 = arith.constant 0 : i32
    return %arg0, %c0_i32, %arg1 : i32, i32, i32
  }
  func.func @transform_3(%arg0: i32, %arg1: i32) -> (i32, i32, i32) {
    %c0_i32 = arith.constant 0 : i32
    %c0_i32_0 = arith.constant 0 : i32
    return %arg0, %c0_i32, %arg1 : i32, i32, i32
  }
  func.func @transform_4(%arg0: i32, %arg1: i32) -> (i32, i32, i32) {
    %c0_i32 = arith.constant 0 : i32
    %c0_i32_0 = arith.constant 0 : i32
    %c0_i32_1 = arith.constant 0 : i32
    return %arg0, %c0_i32, %c0_i32_0 : i32, i32, i32
  }
  func.func @transform_5(%arg0: i32, %arg1: i32) -> (i32, i32, i32) {
    %c0_i32 = arith.constant 0 : i32
    %c0_i32_0 = arith.constant 0 : i32
    return %arg0, %c0_i32, %arg1 : i32, i32, i32
  }
  func.func @transform_6(%arg0: i32, %arg1: i32) -> (i32, i32, i32) {
    %c0_i32 = arith.constant 0 : i32
    %c0_i32_0 = arith.constant 0 : i32
    %c0_i32_1 = arith.constant 0 : i32
    return %arg0, %c0_i32, %c0_i32_0 : i32, i32, i32
  }
  func.func @transform_7(%arg0: i32, %arg1: i32) -> (i32, i32, i32) {
    %c0_i32 = arith.constant 0 : i32
    %c0_i32_0 = arith.constant 0 : i32
    return %arg0, %c0_i32, %arg1 : i32, i32, i32
  }
}

module attributes {stable_mosaic.version = 14 : i64} {
  func.func @_refine_kernel(%arg0: i32, %arg1: memref<1x4096x3xf32, #tpu.memory_space<vmem>>, %arg2: memref<1x4096x128xf32, #tpu.memory_space<vmem>>, %arg3: memref<1x1x1xf32, #tpu.memory_space<vmem>>) attributes {dimension_semantics = [#tpu.dimension_semantics<arbitrary>], iteration_bounds = array<i64: 16>, scalar_prefetch = 0 : i64, scratch_operands = 0 : i64, tpu.core_type = #tpu.core_type<tc>, window_params = [{transform_indices = @transform_0, window_bounds = array<i64: 1, 4096, 3>}, {transform_indices = @transform_1, window_bounds = array<i64: 1, 4096, 128>}, {transform_indices = @transform_2, window_bounds = array<i64: 1, 1, 1>}]} {
    %get3A = arith.constant 0 : index
    %get3A_0 = arith.constant 0 : index
    %get3A_1 = arith.constant 0 : index
    %get3A_2 = vector.load %arg1[%get3A, %get3A_0, %get3A_1] : memref<1x4096x3xf32, #tpu.memory_space<vmem>>, vector<1x4096x1xf32>
    %get3A_3 = vector.shape_cast %get3A_2 : vector<1x4096x1xf32> to vector<4096x1xf32>
    %get3A_4 = arith.constant 0 : index
    %get3A_5 = arith.constant 0 : index
    %get3A_6 = arith.constant 0 : index
    %get3A_7 = vector.load %arg2[%get3A_4, %get3A_5, %get3A_6] : memref<1x4096x128xf32, #tpu.memory_space<vmem>>, vector<1x4096x1xf32>
    %get3A_8 = vector.shape_cast %get3A_7 : vector<1x4096x1xf32> to vector<4096x1xf32>
    %sub3A = arith.subf %get3A_3, %get3A_8 : vector<4096x1xf32>
    %get3A_9 = arith.constant 0 : index
    %get3A_10 = arith.constant 0 : index
    %get3A_11 = arith.constant 1 : index
    %get3A_12 = vector.load %arg1[%get3A_9, %get3A_10, %get3A_11] : memref<1x4096x3xf32, #tpu.memory_space<vmem>>, vector<1x4096x1xf32>
    %get3A_13 = vector.shape_cast %get3A_12 : vector<1x4096x1xf32> to vector<4096x1xf32>
    %get3A_14 = arith.constant 0 : index
    %get3A_15 = arith.constant 0 : index
    %get3A_16 = arith.constant 1 : index
    %get3A_17 = vector.load %arg2[%get3A_14, %get3A_15, %get3A_16] : memref<1x4096x128xf32, #tpu.memory_space<vmem>>, vector<1x4096x1xf32>
    %get3A_18 = vector.shape_cast %get3A_17 : vector<1x4096x1xf32> to vector<4096x1xf32>
    %sub3A_19 = arith.subf %get3A_13, %get3A_18 : vector<4096x1xf32>
    %get3A_20 = arith.constant 0 : index
    %get3A_21 = arith.constant 0 : index
    %get3A_22 = arith.constant 2 : index
    %get3A_23 = vector.load %arg1[%get3A_20, %get3A_21, %get3A_22] : memref<1x4096x3xf32, #tpu.memory_space<vmem>>, vector<1x4096x1xf32>
    %get3A_24 = vector.shape_cast %get3A_23 : vector<1x4096x1xf32> to vector<4096x1xf32>
    %get3A_25 = arith.constant 0 : index
    %get3A_26 = arith.constant 0 : index
    %get3A_27 = arith.constant 2 : index
    %get3A_28 = vector.load %arg2[%get3A_25, %get3A_26, %get3A_27] : memref<1x4096x128xf32, #tpu.memory_space<vmem>>, vector<1x4096x1xf32>
    %get3A_29 = vector.shape_cast %get3A_28 : vector<1x4096x1xf32> to vector<4096x1xf32>
    %sub3A_30 = arith.subf %get3A_24, %get3A_29 : vector<4096x1xf32>
    %mul3A = arith.mulf %sub3A, %sub3A : vector<4096x1xf32>
    %mul3A_31 = arith.mulf %sub3A_19, %sub3A_19 : vector<4096x1xf32>
    %add3A = arith.addf %mul3A, %mul3A_31 : vector<4096x1xf32>
    %mul3A_32 = arith.mulf %sub3A_30, %sub3A_30 : vector<4096x1xf32>
    %add3A_33 = arith.addf %add3A, %mul3A_32 : vector<4096x1xf32>
    %sqrt3A = math.sqrt %add3A_33 : vector<4096x1xf32>
    %reduce_sum3A = arith.constant dense<0.000000e+00> : vector<1xf32>
    %reduce_sum3A_34 = vector.multi_reduction <add>, %sqrt3A, %reduce_sum3A [0] : vector<4096x1xf32> to vector<1xf32>
    %broadcast_in_dim3A = vector.shape_cast %reduce_sum3A_34 : vector<1xf32> to vector<1x1xf32>
    %broadcast_in_dim3A_35 = vector.shape_cast %broadcast_in_dim3A : vector<1x1xf32> to vector<1x1x1xf32>
    %swap3A = arith.constant 0 : index
    %swap3A_36 = arith.constant 0 : index
    %swap3A_37 = arith.constant 0 : index
    %swap3A_38 = vector.load %arg3[%swap3A, %swap3A_36, %swap3A_37] : memref<1x1x1xf32, #tpu.memory_space<vmem>>, vector<1x1x1xf32>
    tpu.vector_store %arg3[%swap3A, %swap3A_36, %swap3A_37], %broadcast_in_dim3A_35 {strides = array<i32>} : memref<1x1x1xf32, #tpu.memory_space<vmem>>, vector<1x1x1xf32>,
    return
  }
  func.func @transform_0(%arg0: i32) -> (i32, i32, i32) {
    %c0_i32 = arith.constant 0 : i32
    %c0_i32_0 = arith.constant 0 : i32
    %c0_i32_1 = arith.constant 0 : i32
    return %arg0, %c0_i32, %c0_i32_0 : i32, i32, i32
  }
  func.func @transform_1(%arg0: i32) -> (i32, i32, i32) {
    %c0_i32 = arith.constant 0 : i32
    %c0_i32_0 = arith.constant 0 : i32
    %c0_i32_1 = arith.constant 0 : i32
    return %arg0, %c0_i32, %c0_i32_0 : i32, i32, i32
  }
  func.func @transform_2(%arg0: i32) -> (i32, i32, i32) {
    %c0_i32 = arith.constant 0 : i32
    %c0_i32_0 = arith.constant 0 : i32
    %c0_i32_1 = arith.constant 0 : i32
    return %arg0, %c0_i32, %c0_i32_0 : i32, i32, i32
  }
}

</mosaic_0001>

<sc_bundles>
// kernel: kernel.5.cloned.1.call-start
scs
__scs_entry_jumppad:
0x0: {  	(pc) =	sbr.rel $0x88, $3  }
0x1: {  	(tag) =	ssettag $0x0;
	lr =	simm.s32 $0x1  }
0x2: {  	[smem:$0x3F9C] =	sst lr;
	_ =	strace $0xD0000000  }
0x3: {  	_ = 	snop  }
0x4: {  	_ = 	snop  }
0x5: {  	_ = 	snop  }
0x6: {  	_ = 	snop  }
0x7: {  	_ = 	snop  }
__scs_overlays_trampoline_lowered:
0x8: {  	[smem:$0x3FAB] =	sst s0  }
0x9: {  	[smem:$0x3FAC] =	sst s1  }
0xa: {  	[smem:$0x3FAD] =	sst s2  }
0xb: {  	[smem:$0x3FAE] =	sst s3  }
0xc: {  	[smem:$0x3FAF] =	sst s4  }
0xd: {  	[smem:$0x3FB0] =	sst s5  }
0xe: {  	[smem:$0x3FB1] =	sst s6  }
0xf: {  	[smem:$0x3FB2] =	sst s7  }
0x10: {  	[smem:$0x3FB3] =	sst s8  }
0x11: {  	[smem:$0x3FB4] =	sst s9;
	s0 =	simm.s32 @!p0 $0x0  }
0x12: {  	s1 =	sld [smem:$0x3F9A];
	s0 =	simm.s32 @p0 $0x1  }
0x13: {  	[smem:$0x3FB5] =	sst s0;
	s0 =	simm.s32 @!p1 $0x0  }
0x14: {  	s2 =	sld [smem:$0x3F99];
	s0 =	simm.s32 @p1 $0x1  }
0x15: {  	[smem:$0x3FB6] =	sst s0;
	s0 =	simm.s32 @!p2 $0x0  }
0x16: {  	s3 =	sld [smem:$0x3FDB];
	s0 =	simm.s32 @p2 $0x1  }
0x17: {  	s4 =	simm.s32 $0x1BF5;
	[smem:$0x3FB8] =	sst s0  }
0x18: {  	s0 =	sld [smem:$0x3F9B];
	_ =	swait.ge [sflag:s4], $0x0  }
0x19: {  	s7 =	sld [smem:$0x3F9C]  }
0x1a: {  	s8 =	sadd.s32 $0xFFFFE003, lr  }
0x1b: {  	s9 =	sadd.s32 $0xFFFFFEF7, lr;
	s5 =	simm.s32 $0xFFFFFFFF;
	p2 =	slt.u32 s8, $0xFFFFF086  }
0x1c: {  	p1 =	slt.u32 s9, $0xF7A;
	s5 =	simm.s32 @!p2 $0x0  }
0x1d: {  	s5 =	simm.s32 @p1 $0x1;
	p0 =	seq.s32 s7, s2  }
0x1e: {  	s7 =	smul.u32 @!p0 $0xF7A, s2;
	p2 =	seq.s32 @!p0 s5, $0x0  }
0x1f: {  	s9 =	smul.u32 $0xF7A, s1;
	s8 =	simm.s32 @!p0 $0x1BF5;
	p2 =	por !p2, p0  }
0x20: {  	[sflag:s8] =	ssyncset.s32 @!p0 $0xFFFFF086;
	s6 =	sadd.s32 @!p0 s3, s7;
	s7 =	simm.s32 @!p0 $0x108  }
0x21: {  	s3 =	sadd.s32 s3, s9;
	s6 =	sadd.s32 @!p0 $0x88, s6;
	s7 =	simm.s32 @p2 $0x1082  }
0x22: {  	[simem:s7], [sflag:s8] =	dma.local @!p0 [hbm:s6], $0xF7A  }
0x23: {  	s9 =	sor.u32 $0xD0000000, s2;
	s6 =	simm.s32 $0x108;
	_ =	swait.ge @!p0 [sflag:s8], $0x0  }
0x24: {  	s3 =	sadd.s32 $0x88, s3;
	s6 =	simm.s32 @!p1 $0x1082;
	[sflag:s4] =	ssyncset.s32 $0xFFFFF086  }
0x25: {  	[simem:s6], [sflag:s4] =	dma.local [hbm:s3], $0xF7A  }
0x26: {  	[smem:$0x3F9C] =	sst s1;
	(tag) =	ssettag s2;
	_ =	strace s9  }
0x27: {  	s1 =	sld [smem:$0x3FAC]  }
0x28: {  	s2 =	sld [smem:$0x3FAD]  }
0x29: {  	s4 =	sld [smem:$0x3FAF]  }
0x2a: {  	p0 =	seq.s32 s5, $0x0;
	s5 =	sld [smem:$0x3FB0]  }
0x2b: {  	s6 =	sld [smem:$0x3FB1]  }
0x2c: {  	s7 =	sld [smem:$0x3FB2]  }
0x2d: {  	s3 =	simm.s32 $0x108;
	s8 =	sld [smem:$0x3FB3]  }
0x2e: {  	s3 =	simm.s32 @!p0 $0x1082;
	s9 =	sld [smem:$0x3FB4]  }
0x2f: {  	lr =	sadd.s32 s0, s3;
	s0 =	sld [smem:$0x3FAB]  }
0x30: {  	s3 =	sld [smem:$0x3FAE]  }
0x31: {  	[smem:$0x3FB7] =	sst s10  }
0x32: {  	s10 =	sld [smem:$0x3FB5];
	_ =	sdelay $0x3  }
0x33: {  	p0 =	seq.s32 s10, $0x1;
	s10 =	sld [smem:$0x3FB7];
	_ =	sdelay $0x3  }
0x34: {  	[smem:$0x3FB7] =	sst s10  }
0x35: {  	s10 =	sld [smem:$0x3FB6];
	_ =	sdelay $0x3  }
0x36: {  	p1 =	seq.s32 s10, $0x1;
	s10 =	sld [smem:$0x3FB7];
	_ =	sdelay $0x3  }
0x37: {  	[smem:$0x3FB7] =	sst s10  }
0x38: {  	s10 =	sld [smem:$0x3FB8]  }
0x39: {  	_ = 	snop;
	(pc) =	sbr.ind lr, $3  }
0x3a: {  	_ = 	snop  }
0x3b: {  	_ = 	snop  }
0x3c: {  	p2 =	seq.s32 s10, $0x1;
	s10 =	sld [smem:$0x3FB7]  }
0x3d: {  	_ =	shalt  }
0x3e: {  	_ =	shalt  }
0x3f: {  	_ =	shalt  }
0x40: {  	_ =	shalt  }
0x41: {  	_ =	shalt  }
0x42: {  	_ =	shalt  }
0x43: {  	_ =	shalt  }
0x44: {  	_ =	shalt  }
0x45: {  	_ =	shalt  }
0x46: {  	_ =	shalt  }
0x47: {  	_ =	shalt  }
0x48: {  	_ =	shalt  }
0x49: {  	_ =	shalt  }
0x4a: {  	_ =	shalt  }
0x4b: {  	_ =	shalt  }
0x4c: {  	_ =	shalt  }
0x4d: {  	_ =	shalt  }
0x4e: {  	_ =	shalt  }
0x4f: {  	_ =	shalt  }
0x50: {  	_ =	shalt  }
0x51: {  	_ =	shalt  }
0x52: {  	_ =	shalt  }
0x53: {  	_ =	shalt  }
0x54: {  	_ =	shalt  }
0x55: {  	_ =	shalt  }
0x56: {  	_ =	shalt  }
0x57: {  	_ =	shalt  }
0x58: {  	_ =	shalt  }
0x59: {  	_ =	shalt  }
0x5a: {  	_ =	shalt  }
0x5b: {  	_ =	shalt  }
0x5c: {  	_ =	shalt  }
0x5d: {  	_ =	shalt  }
0x5e: {  	_ =	shalt  }
0x5f: {  	_ =	shalt  }
0x60: {  	_ =	shalt  }
0x61: {  	_ =	shalt  }
0x62: {  	_ =	shalt  }
0x63: {  	_ =	shalt  }
0x64: {  	_ =	shalt  }
0x65: {  	_ =	shalt  }
0x66: {  	_ =	shalt  }
0x67: {  	_ =	shalt  }
0x68: {  	_ =	shalt  }
0x69: {  	_ =	shalt  }
0x6a: {  	_ =	shalt  }
0x6b: {  	_ =	shalt  }
0x6c: {  	_ =	shalt  }
0x6d: {  	_ =	shalt  }
0x6e: {  	_ =	shalt  }
0x6f: {  	_ =	shalt  }
0x70: {  	_ =	shalt  }
0x71: {  	_ =	shalt  }
0x72: {  	_ =	shalt  }
0x73: {  	_ =	shalt  }
0x74: {  	_ =	shalt  }
0x75: {  	_ =	shalt  }
0x76: {  	_ =	shalt  }
0x77: {  	_ =	shalt  }
0x78: {  	_ =	shalt  }
0x79: {  	_ =	shalt  }
0x7a: {  	_ =	shalt  }
0x7b: {  	_ =	shalt  }
0x7c: {  	_ =	shalt  }
0x7d: {  	_ =	shalt  }
0x7e: {  	_ =	shalt  }
0x7f: {  	_ =	shalt  }
0x80: {  	_ =	shalt  }
0x81: {  	_ =	shalt  }
0x82: {  	_ =	shalt  }
0x83: {  	_ =	shalt  }
0x84: {  	_ =	shalt  }
0x85: {  	_ =	shalt  }
0x86: {  	_ =	shalt  }
0x87: {  	_ =	shalt  }
.Lfunc_end0:
.L_simem_size_0:
called_computation_lowered:
.L_overlay_start_0:
0x88: {  	s2 =	sld [smem:$0x3FD9]  }
0x89: {  	s3 =	sld [smem:$0x3FFE];
	_ =	sdelay $0x1  }
0x8a: {  	s1 =	srdreg.scid  }
0x8b: {  	s0 =	sand.u32 $0x1, s1  }
0x8c: {  	s16 =	sshll.u32 s0, $0xA;
	s2 =	sadd.s32 s3, s2  }
0x8d: {  	s2 =	sadd.s32 s2, s16  }
0x8e: {  	[smem:$0x3FC3] =	sst s2  }
0x8f: {  	_ = 	snop  }
0x90: {  	(tm) =	ssettm $0x1  }
0x91: {  	s17 =	sld [smem:$0x3FFB];
	_ =	sdelay $0x3  }
0x92: {  	_ =	strace s17  }
0x93: {  	s2 =	sld [smem:$0x3FFC];
	_ =	sdelay $0x3  }
0x94: {  	_ =	strace s2  }
0x95: {  	s2 =	sld [smem:$0x3FFD];
	_ =	sdelay $0x3  }
0x96: {  	_ =	strace s2  }
0x97: {  	_ =	strace $0x8FFFFFFF  }
0x98: {  	s18 =	sld [smem:$0x3FDB];
	_ =	sdelay $0x1  }
0x99: {  	s19 =	simm.s32 $_scs_section_size  }
0x9a: {  	s4 =	simm.s32 $_size__tile_overlayer_lowered;
	s5 =	simm.s32 $_tile_overlayer_lowered  }
0x9b: {  	s22 =	simm.s32 $0x1BFF;
	s21 =	sshll.u32 s5, $0x1;
	s2 =	sadd.s32 s19, s18  }
0x9c: {  	s6 =	simm.s32 $0x0;
	s20 =	sshll.u32 s4, $0x1;
	s4 =	sadd.s32 s21, s2  }
0x9d: {  	[timem:s6], [sflag:s22] =	dma.local [hbm:s4], s20  }
0x9e: {  	_ =	swait.ge [sflag:s22], s20  }
0x9f: {  	s3 =	ssub.s32 $0x0, s20;
	[sflag:s22] =	ssyncset.done $0x0  }
0xa0: {  	[sflag:s22] =	ssyncadd.s32 s3;
	_ =	sdelay $0x1  }
0xa1: {  	s23 =	simm.s32 $0x1B8B  }
0xa2: {  	_ =	swait.ge [sflag:s23], $0x1  }
0xa3: {  	[sflag:s23] =	ssyncset.done $0x0  }
0xa4: {  	s25 =	simm.s32 $0x1B8E;
	s24 =	sld [smem:$0x3FFE];
	[sflag:s23] =	ssyncadd.s32 $0xFFFFFFFF  }
0xa5: {  	s26 =	simm.s32 $execute0_lowered;
	[smem:$0x3FD2] =	sst s25  }
0xa6: {  	s4 =	sshll.u32 s26, $0x1;
	_ =	strace $0x80000046;
	[dreg:$0x1] =	wrdreg $0xFFFFFFFF  }
0xa7: {  	s28 =	simm.s32 $_size_execute0_lowered;
	s2 =	sadd.s32 s2, s4;
	[dreg:$0x0] =	wrdreg $0x0  }
0xa8: {  	s4 =	sshll.u32 s28, $0x1;
	[dreg:$0x2] =	wrdreg s2  }
0xa9: {  	[dreg:$0x3] =	wrdreg s4  }
0xaa: {  	[dreg:$0x4] =	wrdreg $0xC0  }
0xab: {  	_ =	task [dreg:s6], $0x5FFFF  }
0xac: {  	[dreg:$0x1] =	wrdreg $0xFFFFFFFF  }
0xad: {  	[dreg:$0x0] =	wrdreg $0x60  }
0xae: {  	[dreg:$0x2] =	wrdreg s24  }
0xaf: {  	[dreg:$0x3] =	wrdreg $0x9  }
0xb0: {  	_ =	task.clear_ibuf [dreg:s6], $0x4FFFF;
	_ =	strace $0x90000046  }
0xb1: {  	s29 =	simm.s32 $0x9;
	_ =	strace $0x80000048  }
0xb2: {  	_ =	swait.ge [sflag:s29], $0x1  }
0xb3: {  	[sflag:s29] =	ssyncadd.s32 $0xFFFFFFFF  }
0xb4: {  	_ =	strace $0x90000048  }
0xb5: {  	_ =	sfence  }
0xb6: {  	s30 =	sld [smem:$0x0];
	_ =	sdelay $0x2  }
0xb7: {  	s31 =	sshll.u32 s1, $0xD;
	s1 =	sshrl.u32 s1, $0x2  }
0xb8: {  	s3 =	sand.u32 $0x4000, s31;
	s1 =	sadd.s32 s1, s30  }
0xb9: {  	s0 =	sor.u32 s3, s0;
	s1 =	sshll.u32 s1, $0x11  }
0xba: {  	s0 =	sor.u32 s1, s0  }
0xbb: {  	s0 =	sadd.s32 $0x8F2B, s0  }
0xbc: {  	[sflag:s0] =	ssyncadd.remote.s32 $0x1  }
0xbd: {  	_ =	sfence.sel $0xFFFF  }
0xbe: {  	[dreg:$0x0] =	wrdreg $0xFFFFFFFF;
	(pc) =	sbr.abs _section_cstart, $3  }
0xbf: {  	[dreg:$0x1] =	wrdreg $0xFFFFFFFF  }
0xc0: {  	_ =	task.clear_ibuf [dreg:s6], $0x2FFFF;
	_ =	strace $0x9FFFFFFF  }
0xc1: {  	(tm) =	ssettm $0x7FFFFFFF  }
tec
execute0_lowered:
.L_overlay_start_1:
0x0: {  	(tag) =	ssettag $0x1  }
0x1: {  	s1 =	srdreg.scid  }
0x2: {  	s0 =	stileid.u32;
	s25 =	sand.u32 $0x1, s1  }
0x3: {  	s23 =	rddreg [dreg:$0x0];
	s3 =	sshll.u32 s0, $0xC;
	s4 =	sshll.u32 s25, $0xB  }
0x4: {  	s2 =	simm.s32 $0x0;
	s1 =	rddreg [dreg:$0x1];
	s24 =	sor.u32 s4, s3  }
0x5: {  	[smem:$0x7FF] =	sst s2;
	s3 =	sshrl.u32 s24, $0x3  }
0x6: {  	_ =	strace $0x80000047;
	s4 =	sadd.s32 s23, s3;
	s3 =	simm.s32 $0x3  }
0x7: {  	[tilespmem:s2], [sflag:$0x3] =	stream.linear.gather [hbm4b:s4+s2], $0x100, $0x38;
	[tilespmem:$0x10200] =	vst v63  }
0x8: {  	s6 =	simm.s32 $0x100;
	_ =	swait.ge [sflag:s3], $0x100  }
0x9: {  	s7 =	simm.s32 $0x200;
	s14 =	sor.u32 $0x100, s24;
	[sflag:s3] =	ssyncset.done $0x0  }
0xa: {  	s5 =	sadd.s32 $0x100000, s23;
	s8 =	sshrl.u32 s14, $0x3;
	[sflag:s3] =	ssyncadd.s32 $0xFFFFFF00  }
0xb: {  	[tilespmem:s7], [sflag:$0x1] =	stream.indirect.gather [hbm4b:s5+s6], $0x80, s2, s6, $0xb8;
	[tilespmem:$0x10200] =	vst v63  }
0xc: {  	s8 =	sadd.s32 s23, s8  }
0xd: {  	[tilespmem:s6], [sflag:$0x3] =	stream.linear.gather [hbm4b:s8+s2], $0x100, $0x38;
	[tilespmem:$0x10200] =	vst v63  }
0xe: {  	_ =	swait.ge [sflag:s3], $0x100  }
0xf: {  	[sflag:s3] =	ssyncset.done $0x0  }
0x10: {  	s9 =	simm.s32 $0x8200;
	s10 =	simm.s32 $0x1;
	[sflag:s3] =	ssyncadd.s32 $0xFFFFFF00  }
0x11: {  	[tilespmem:s9], [sflag:$0x2] =	stream.indirect.gather [hbm4b:s5+s6], $0x80, s6, s6, $0xb8;
	[tilespmem:$0x10200] =	vst v63  }
0x12: {  	_ =	swait.ge [sflag:s10], $0x8000  }
0x13: {  	s26 =	sadd.s32 $0x200000, s23;
	s11 =	sshll.u32 s24, $0x4;
	[sflag:s10] =	ssyncset.done $0x0  }
0x14: {  	s11 =	sadd.s32 s26, s11;
	[sflag:s10] =	ssyncadd.s32 $0xFFFF8000  }
0x15: {  	[hbm4b:s11+s2] =	stream.linear.scatter [tilespmem:s7], [sflag:$0x3], $0x8000, $0x38;
	[tilespmem:$0x10200] =	vst v63  }
0x16: {  	s16 =	sor.u32 $0x200, s24;
	_ =	swait.ge [sflag:s3], $0x8000  }
0x17: {  	s12 =	sshrl.u32 s16, $0x3;
	[sflag:s3] =	ssyncset.done $0x0  }
0x18: {  	s12 =	sadd.s32 s23, s12;
	[sflag:s3] =	ssyncadd.s32 $0xFFFF8000  }
0x19: {  	[tilespmem:s2], [sflag:$0x3] =	stream.linear.gather [hbm4b:s12+s2], $0x100, $0x38;
	[tilespmem:$0x10200] =	vst v63  }
0x1a: {  	_ =	swait.ge [sflag:s3], $0x100  }
0x1b: {  	[sflag:s3] =	ssyncset.done $0x0  }
0x1c: {  	s13 =	simm.s32 $0x2;
	[sflag:s3] =	ssyncadd.s32 $0xFFFFFF00  }
0x1d: {  	[tilespmem:s7], [sflag:$0x1] =	stream.indirect.gather [hbm4b:s5+s6], $0x80, s2, s6, $0xb8;
	[tilespmem:$0x10200] =	vst v63  }
0x1e: {  	_ =	swait.ge [sflag:s13], $0x8000  }
0x1f: {  	s14 =	sshll.u32 s14, $0x4;
	[sflag:s13] =	ssyncset.done $0x0  }
0x20: {  	s14 =	sadd.s32 s26, s14;
	[sflag:s13] =	ssyncadd.s32 $0xFFFF8000  }
0x21: {  	[hbm4b:s14+s2] =	stream.linear.scatter [tilespmem:s9], [sflag:$0x3], $0x8000, $0x38;
	[tilespmem:$0x10200] =	vst v63  }
0x22: {  	s18 =	sor.u32 $0x300, s24;
	_ =	swait.ge [sflag:s3], $0x8000  }
0x23: {  	s15 =	sshrl.u32 s18, $0x3;
	[sflag:s3] =	ssyncset.done $0x0  }
0x24: {  	s15 =	sadd.s32 s23, s15;
	[sflag:s3] =	ssyncadd.s32 $0xFFFF8000  }
0x25: {  	[tilespmem:s6], [sflag:$0x3] =	stream.linear.gather [hbm4b:s15+s2], $0x100, $0x38;
	[tilespmem:$0x10200] =	vst v63  }
0x26: {  	_ =	swait.ge [sflag:s3], $0x100  }
0x27: {  	[sflag:s3] =	ssyncset.done $0x0  }
0x28: {  	[sflag:s3] =	ssyncadd.s32 $0xFFFFFF00  }
0x29: {  	[tilespmem:s9], [sflag:$0x2] =	stream.indirect.gather [hbm4b:s5+s6], $0x80, s6, s6, $0xb8;
	[tilespmem:$0x10200] =	vst v63  }
0x2a: {  	_ =	swait.ge [sflag:s10], $0x8000  }
0x2b: {  	s16 =	sshll.u32 s16, $0x4;
	[sflag:s10] =	ssyncset.done $0x0  }
0x2c: {  	s16 =	sadd.s32 s26, s16;
	[sflag:s10] =	ssyncadd.s32 $0xFFFF8000  }
0x2d: {  	[hbm4b:s16+s2] =	stream.linear.scatter [tilespmem:s7], [sflag:$0x3], $0x8000, $0x38;
	[tilespmem:$0x10200] =	vst v63  }
0x2e: {  	s20 =	sor.u32 $0x400, s24;
	_ =	swait.ge [sflag:s3], $0x8000  }
0x2f: {  	s17 =	sshrl.u32 s20, $0x3;
	[sflag:s3] =	ssyncset.done $0x0  }
0x30: {  	s17 =	sadd.s32 s23, s17;
	[sflag:s3] =	ssyncadd.s32 $0xFFFF8000  }
0x31: {  	[tilespmem:s2], [sflag:$0x3] =	stream.linear.gather [hbm4b:s17+s2], $0x100, $0x38;
	[tilespmem:$0x10200] =	vst v63  }
0x32: {  	_ =	swait.ge [sflag:s3], $0x100  }
0x33: {  	[sflag:s3] =	ssyncset.done $0x0  }
0x34: {  	[sflag:s3] =	ssyncadd.s32 $0xFFFFFF00  }
0x35: {  	[tilespmem:s7], [sflag:$0x1] =	stream.indirect.gather [hbm4b:s5+s6], $0x80, s2, s6, $0xb8;
	[tilespmem:$0x10200] =	vst v63  }
0x36: {  	_ =	swait.ge [sflag:s13], $0x8000  }
0x37: {  	s18 =	sshll.u32 s18, $0x4;
	[sflag:s13] =	ssyncset.done $0x0  }
0x38: {  	s18 =	sadd.s32 s26, s18;
	[sflag:s13] =	ssyncadd.s32 $0xFFFF8000  }
0x39: {  	[hbm4b:s18+s2] =	stream.linear.scatter [tilespmem:s9], [sflag:$0x3], $0x8000, $0x38;
	[tilespmem:$0x10200] =	vst v63  }
0x3a: {  	s22 =	sor.u32 $0x500, s24;
	_ =	swait.ge [sflag:s3], $0x8000  }
0x3b: {  	s19 =	sshrl.u32 s22, $0x3;
	[sflag:s3] =	ssyncset.done $0x0  }
0x3c: {  	s19 =	sadd.s32 s23, s19;
	[sflag:s3] =	ssyncadd.s32 $0xFFFF8000  }
0x3d: {  	[tilespmem:s6], [sflag:$0x3] =	stream.linear.gather [hbm4b:s19+s2], $0x100, $0x38;
	[tilespmem:$0x10200] =	vst v63  }
0x3e: {  	_ =	swait.ge [sflag:s3], $0x100  }
0x3f: {  	[sflag:s3] =	ssyncset.done $0x0  }
0x40: {  	[sflag:s3] =	ssyncadd.s32 $0xFFFFFF00  }
0x41: {  	[tilespmem:s9], [sflag:$0x2] =	stream.indirect.gather [hbm4b:s5+s6], $0x80, s6, s6, $0xb8;
	[tilespmem:$0x10200] =	vst v63  }
0x42: {  	_ =	swait.ge [sflag:s10], $0x8000  }
0x43: {  	s20 =	sshll.u32 s20, $0x4;
	[sflag:s10] =	ssyncset.done $0x0  }
0x44: {  	s20 =	sadd.s32 s26, s20;
	[sflag:s10] =	ssyncadd.s32 $0xFFFF8000  }
0x45: {  	[hbm4b:s20+s2] =	stream.linear.scatter [tilespmem:s7], [sflag:$0x3], $0x8000, $0x38;
	[tilespmem:$0x10200] =	vst v63  }
0x46: {  	s28 =	sor.u32 $0x600, s24;
	_ =	swait.ge [sflag:s3], $0x8000  }
0x47: {  	s21 =	sshrl.u32 s28, $0x3;
	[sflag:s3] =	ssyncset.done $0x0  }
0x48: {  	s21 =	sadd.s32 s23, s21;
	[sflag:s3] =	ssyncadd.s32 $0xFFFF8000  }
0x49: {  	[tilespmem:s2], [sflag:$0x3] =	stream.linear.gather [hbm4b:s21+s2], $0x100, $0x38;
	[tilespmem:$0x10200] =	vst v63  }
0x4a: {  	_ =	swait.ge [sflag:s3], $0x100  }
0x4b: {  	[sflag:s3] =	ssyncset.done $0x0  }
0x4c: {  	[sflag:s3] =	ssyncadd.s32 $0xFFFFFF00  }
0x4d: {  	[tilespmem:s7], [sflag:$0x1] =	stream.indirect.gather [hbm4b:s5+s6], $0x80, s2, s6, $0xb8;
	[tilespmem:$0x10200] =	vst v63  }
0x4e: {  	_ =	swait.ge [sflag:s13], $0x8000  }
0x4f: {  	s22 =	sshll.u32 s22, $0x4;
	[sflag:s13] =	ssyncset.done $0x0  }
0x50: {  	s22 =	sadd.s32 s26, s22;
	[sflag:s13] =	ssyncadd.s32 $0xFFFF8000  }
0x51: {  	[hbm4b:s22+s2] =	stream.linear.scatter [tilespmem:s9], [sflag:$0x3], $0x8000, $0x38;
	[tilespmem:$0x10200] =	vst v63  }
0x52: {  	s29 =	sor.u32 $0x700, s24;
	_ =	swait.ge [sflag:s3], $0x8000  }
0x53: {  	s24 =	sshrl.u32 s29, $0x3;
	[sflag:s3] =	ssyncset.done $0x0  }
0x54: {  	s23 =	sadd.s32 s23, s24;
	[sflag:s3] =	ssyncadd.s32 $0xFFFF8000  }
0x55: {  	[tilespmem:s6], [sflag:$0x3] =	stream.linear.gather [hbm4b:s23+s2], $0x100, $0x38;
	[tilespmem:$0x10200] =	vst v63  }
0x56: {  	_ =	swait.ge [sflag:s3], $0x100  }
0x57: {  	[sflag:s3] =	ssyncset.done $0x0  }
0x58: {  	[sflag:s3] =	ssyncadd.s32 $0xFFFFFF00  }
0x59: {  	[tilespmem:s9], [sflag:$0x2] =	stream.indirect.gather [hbm4b:s5+s6], $0x80, s6, s6, $0xb8;
	[tilespmem:$0x10200] =	vst v63  }
0x5a: {  	_ =	swait.ge [sflag:s10], $0x8000  }
0x5b: {  	s30 =	sshll.u32 s28, $0x4;
	[sflag:s10] =	ssyncset.done $0x0  }
0x5c: {  	s25 =	ssub.s32 $0x2, s25;
	s24 =	sadd.s32 s26, s30;
	[sflag:s10] =	ssyncadd.s32 $0xFFFF8000  }
0x5d: {  	[hbm4b:s24+s2] =	stream.linear.scatter [tilespmem:s7], [sflag:$0x3], $0x8000, $0x38;
	[tilespmem:$0x10200] =	vst v63  }
0x5e: {  	s31 =	sshrl.u32 s25, $0x1;
	_ =	swait.ge [sflag:s3], $0x8000  }
0x5f: {  	s28 =	ssub.s32 s25, s31;
	[sflag:s3] =	ssyncset.done $0x0  }
0x60: {  	s31 =	smax.u32 s28, $0x1;
	[sflag:s3] =	ssyncadd.s32 $0xFFFF8000  }
0x61: {  	p0 =	sne.s32 s31, $0x1;
	_ =	swait.ge [sflag:s13], $0x8000  }
.Ltmp0:
0x62: {  	s30 =	sshll.u32 s29, $0x4;
	[sflag:s13] =	ssyncset.done $0x0;
	(pc) =	sbr.rel @!p0 .LBB2_2-.Ltmp0, $4  }
0x63: {  	s25 =	sadd.s32 s26, s30;
	[sflag:s13] =	ssyncadd.s32 $0xFFFF8000  }
0x64: {  	[hbm4b:s25+s2] =	stream.linear.scatter [tilespmem:s9], [sflag:$0x3], $0x8000, $0x38;
	[tilespmem:$0x10200] =	vst v63  }
0x65: {  	_ =	swait.ge [sflag:s3], $0x8000  }
0x66: {  	s26 =	sadd.s32 $0xFFFFFFFF, s31;
	[sflag:s3] =	ssyncset.done $0x0  }
.LBB2_1:
0x67: {  	p0 =	sne.s32 s26, $0x1;
	s26 =	sadd.s32 $0xFFFFFFFF, s26;
	[sflag:s3] =	ssyncadd.s32 $0xFFFF8000  }
0x68: {  	[tilespmem:s2], [sflag:$0x3] =	stream.linear.gather [hbm4b:s4+s2], $0x100, $0x38;
	[tilespmem:$0x10200] =	vst v63  }
0x69: {  	_ =	swait.ge [sflag:s3], $0x100  }
0x6a: {  	[sflag:s3] =	ssyncset.done $0x0  }
0x6b: {  	[sflag:s3] =	ssyncadd.s32 $0xFFFFFF00  }
0x6c: {  	[tilespmem:s7], [sflag:$0x1] =	stream.indirect.gather [hbm4b:s5+s6], $0x80, s2, s6, $0xb8;
	[tilespmem:$0x10200] =	vst v63  }
0x6d: {  	_ = 	snop  }
0x6e: {  	[tilespmem:s6], [sflag:$0x3] =	stream.linear.gather [hbm4b:s8+s2], $0x100, $0x38;
	[tilespmem:$0x10200] =	vst v63  }
0x6f: {  	_ =	swait.ge [sflag:s3], $0x100  }
0x70: {  	[sflag:s3] =	ssyncset.done $0x0  }
0x71: {  	[sflag:s3] =	ssyncadd.s32 $0xFFFFFF00  }
0x72: {  	[tilespmem:s9], [sflag:$0x2] =	stream.indirect.gather [hbm4b:s5+s6], $0x80, s6, s6, $0xb8;
	[tilespmem:$0x10200] =	vst v63  }
0x73: {  	_ =	swait.ge [sflag:s10], $0x8000  }
0x74: {  	[sflag:s10] =	ssyncset.done $0x0  }
0x75: {  	[sflag:s10] =	ssyncadd.s32 $0xFFFF8000  }
0x76: {  	[hbm4b:s11+s2] =	stream.linear.scatter [tilespmem:s7], [sflag:$0x3], $0x8000, $0x38;
	[tilespmem:$0x10200] =	vst v63  }
0x77: {  	_ =	swait.ge [sflag:s3], $0x8000  }
0x78: {  	[sflag:s3] =	ssyncset.done $0x0  }
0x79: {  	[sflag:s3] =	ssyncadd.s32 $0xFFFF8000  }
0x7a: {  	[tilespmem:s2], [sflag:$0x3] =	stream.linear.gather [hbm4b:s12+s2], $0x100, $0x38;
	[tilespmem:$0x10200] =	vst v63  }
0x7b: {  	_ =	swait.ge [sflag:s3], $0x100  }
0x7c: {  	[sflag:s3] =	ssyncset.done $0x0  }
0x7d: {  	[sflag:s3] =	ssyncadd.s32 $0xFFFFFF00  }
0x7e: {  	[tilespmem:s7], [sflag:$0x1] =	stream.indirect.gather [hbm4b:s5+s6], $0x80, s2, s6, $0xb8;
	[tilespmem:$0x10200] =	vst v63  }
0x7f: {  	_ =	swait.ge [sflag:s13], $0x8000  }
0x80: {  	[sflag:s13] =	ssyncset.done $0x0  }
0x81: {  	[sflag:s13] =	ssyncadd.s32 $0xFFFF8000  }
0x82: {  	[hbm4b:s14+s2] =	stream.linear.scatter [tilespmem:s9], [sflag:$0x3], $0x8000, $0x38;
	[tilespmem:$0x10200] =	vst v63  }
0x83: {  	_ =	swait.ge [sflag:s3], $0x8000  }
0x84: {  	[sflag:s3] =	ssyncset.done $0x0  }
0x85: {  	[sflag:s3] =	ssyncadd.s32 $0xFFFF8000  }
0x86: {  	[tilespmem:s6], [sflag:$0x3] =	stream.linear.gather [hbm4b:s15+s2], $0x100, $0x38;
	[tilespmem:$0x10200] =	vst v63  }
0x87: {  	_ =	swait.ge [sflag:s3], $0x100  }
0x88: {  	[sflag:s3] =	ssyncset.done $0x0  }
0x89: {  	[sflag:s3] =	ssyncadd.s32 $0xFFFFFF00  }
0x8a: {  	[tilespmem:s9], [sflag:$0x2] =	stream.indirect.gather [hbm4b:s5+s6], $0x80, s6, s6, $0xb8;
	[tilespmem:$0x10200] =	vst v63  }
0x8b: {  	_ =	swait.ge [sflag:s10], $0x8000  }
0x8c: {  	[sflag:s10] =	ssyncset.done $0x0  }
0x8d: {  	[sflag:s10] =	ssyncadd.s32 $0xFFFF8000  }
0x8e: {  	[hbm4b:s16+s2] =	stream.linear.scatter [tilespmem:s7], [sflag:$0x3], $0x8000, $0x38;
	[tilespmem:$0x10200] =	vst v63  }
0x8f: {  	_ =	swait.ge [sflag:s3], $0x8000  }
0x90: {  	[sflag:s3] =	ssyncset.done $0x0  }
0x91: {  	[sflag:s3] =	ssyncadd.s32 $0xFFFF8000  }
0x92: {  	[tilespmem:s2], [sflag:$0x3] =	stream.linear.gather [hbm4b:s17+s2], $0x100, $0x38;
	[tilespmem:$0x10200] =	vst v63  }
0x93: {  	_ =	swait.ge [sflag:s3], $0x100  }
0x94: {  	[sflag:s3] =	ssyncset.done $0x0  }
0x95: {  	[sflag:s3] =	ssyncadd.s32 $0xFFFFFF00  }
0x96: {  	[tilespmem:s7], [sflag:$0x1] =	stream.indirect.gather [hbm4b:s5+s6], $0x80, s2, s6, $0xb8;
	[tilespmem:$0x10200] =	vst v63  }
0x97: {  	_ =	swait.ge [sflag:s13], $0x8000  }
0x98: {  	[sflag:s13] =	ssyncset.done $0x0  }
0x99: {  	[sflag:s13] =	ssyncadd.s32 $0xFFFF8000  }
0x9a: {  	[hbm4b:s18+s2] =	stream.linear.scatter [tilespmem:s9], [sflag:$0x3], $0x8000, $0x38;
	[tilespmem:$0x10200] =	vst v63  }
0x9b: {  	_ =	swait.ge [sflag:s3], $0x8000  }
0x9c: {  	[sflag:s3] =	ssyncset.done $0x0  }
0x9d: {  	[sflag:s3] =	ssyncadd.s32 $0xFFFF8000  }
0x9e: {  	[tilespmem:s6], [sflag:$0x3] =	stream.linear.gather [hbm4b:s19+s2], $0x100, $0x38;
	[tilespmem:$0x10200] =	vst v63  }
0x9f: {  	_ =	swait.ge [sflag:s3], $0x100  }
0xa0: {  	[sflag:s3] =	ssyncset.done $0x0  }
0xa1: {  	[sflag:s3] =	ssyncadd.s32 $0xFFFFFF00  }
0xa2: {  	[tilespmem:s9], [sflag:$0x2] =	stream.indirect.gather [hbm4b:s5+s6], $0x80, s6, s6, $0xb8;
	[tilespmem:$0x10200] =	vst v63  }
0xa3: {  	_ =	swait.ge [sflag:s10], $0x8000  }
0xa4: {  	[sflag:s10] =	ssyncset.done $0x0  }
0xa5: {  	[sflag:s10] =	ssyncadd.s32 $0xFFFF8000  }
0xa6: {  	[hbm4b:s20+s2] =	stream.linear.scatter [tilespmem:s7], [sflag:$0x3], $0x8000, $0x38;
	[tilespmem:$0x10200] =	vst v63  }
0xa7: {  	_ =	swait.ge [sflag:s3], $0x8000  }
0xa8: {  	[sflag:s3] =	ssyncset.done $0x0  }
0xa9: {  	[sflag:s3] =	ssyncadd.s32 $0xFFFF8000  }
0xaa: {  	[tilespmem:s2], [sflag:$0x3] =	stream.linear.gather [hbm4b:s21+s2], $0x100, $0x38;
	[tilespmem:$0x10200] =	vst v63  }
0xab: {  	_ =	swait.ge [sflag:s3], $0x100  }
0xac: {  	[sflag:s3] =	ssyncset.done $0x0  }
0xad: {  	[sflag:s3] =	ssyncadd.s32 $0xFFFFFF00  }
0xae: {  	[tilespmem:s7], [sflag:$0x1] =	stream.indirect.gather [hbm4b:s5+s6], $0x80, s2, s6, $0xb8;
	[tilespmem:$0x10200] =	vst v63  }
0xaf: {  	_ =	swait.ge [sflag:s13], $0x8000  }
0xb0: {  	[sflag:s13] =	ssyncset.done $0x0  }
0xb1: {  	[sflag:s13] =	ssyncadd.s32 $0xFFFF8000  }
0xb2: {  	[hbm4b:s22+s2] =	stream.linear.scatter [tilespmem:s9], [sflag:$0x3], $0x8000, $0x38;
	[tilespmem:$0x10200] =	vst v63  }
0xb3: {  	_ =	swait.ge [sflag:s3], $0x8000  }
0xb4: {  	[sflag:s3] =	ssyncset.done $0x0  }
0xb5: {  	[sflag:s3] =	ssyncadd.s32 $0xFFFF8000  }
0xb6: {  	[tilespmem:s6], [sflag:$0x3] =	stream.linear.gather [hbm4b:s23+s2], $0x100, $0x38;
	[tilespmem:$0x10200] =	vst v63  }
0xb7: {  	_ =	swait.ge [sflag:s3], $0x100  }
0xb8: {  	[sflag:s3] =	ssyncset.done $0x0  }
0xb9: {  	[sflag:s3] =	ssyncadd.s32 $0xFFFFFF00  }
0xba: {  	[tilespmem:s9], [sflag:$0x2] =	stream.indirect.gather [hbm4b:s5+s6], $0x80, s6, s6, $0xb8;
	[tilespmem:$0x10200] =	vst v63  }
0xbb: {  	_ =	swait.ge [sflag:s10], $0x8000  }
0xbc: {  	[sflag:s10] =	ssyncset.done $0x0  }
0xbd: {  	[sflag:s10] =	ssyncadd.s32 $0xFFFF8000  }
0xbe: {  	[hbm4b:s24+s2] =	stream.linear.scatter [tilespmem:s7], [sflag:$0x3], $0x8000, $0x38;
	[tilespmem:$0x10200] =	vst v63  }
0xbf: {  	_ =	swait.ge [sflag:s3], $0x8000  }
0xc0: {  	[sflag:s3] =	ssyncset.done $0x0  }
0xc1: {  	[sflag:s3] =	ssyncadd.s32 $0xFFFF8000  }
0xc2: {  	_ =	swait.ge [sflag:s13], $0x8000  }
.Ltmp1:
0xc3: {  	[sflag:s13] =	ssyncset.done $0x0;
	(pc) =	sbr.rel @p0 .LBB2_1-.Ltmp1, $4  }
0xc4: {  	[sflag:s13] =	ssyncadd.s32 $0xFFFF8000  }
0xc5: {  	[hbm4b:s25+s2] =	stream.linear.scatter [tilespmem:s9], [sflag:$0x3], $0x8000, $0x38;
	[tilespmem:$0x10200] =	vst v63  }
0xc6: {  	_ =	swait.ge [sflag:s3], $0x8000  }
0xc7: {  	[sflag:s3] =	ssyncset.done $0x0  }
.LBB2_2:
0xc8: {  	[sflag:s3] =	ssyncadd.s32 $0xFFFF8000  }
0xc9: {  	_ =	sfence.sel $0x180000  }
0xca: {  	[bflag:$0x0] =	sbarrier.arrive $0xFFFF  }
0xcb: {  	p0 =	sne.s32 s0, $0x0;
	_ =	strace $0x90000047  }
0xcc: {  	s0 =	sadd.s32 @!p0 $0x100000, s1;
	[bflag:$0x2] =	sbarrier.arrive $0xFFFF  }
0xcd: {  	[sflag:s0] =	ssyncadd.tile.s32 @!p0 $0x1;
	_ =	shalt  }
.Lfunc_end2:
_tile_overlayer_lowered:
.L_overlay_start_2:
0xce: {  	(tag) =	ssettag $0x2  }
0xcf: {  	s0 =	rddreg [dreg:$0x0];
	s2 =	stileid.u32  }
0xd0: {  	s1 =	rddreg [dreg:$0x1];
	p0 =	sne.s32 s2, $0x0  }
0xd1: {  	s3 =	rddreg [dreg:$0x2];
	[bflag:$0x3] =	sbarrier.arrive $0xFFFF;
	s2 =	simm.s32 @!p0 $0x1C03  }
0xd2: {  	[timem:s3], [sflag:s2] =	dma.local @!p0 [hbm:s0], s1  }
0xd3: {  	s0 =	simm.s32 @!p0 $0x3  }
0xd4: {  	_ =	swait.ge @!p0 [sflag:s0], s1  }
0xd5: {  	s1 =	ssub.s32 @!p0 $0x0, s1;
	[sflag:s0] =	ssyncset.done @!p0 $0x0  }
0xd6: {  	[sflag:s0] =	ssyncadd.s32 @!p0 s1  }
0xd7: {  	[bflag:$0x3] =	sbarrier.arrive $0xFFFF  }
0xd8: {  	_ =	shalt  }

</sc_bundles>
